<compile_context>
chip_gen: v7x
topology: tpu7x:2x2x1
jax: 0.10.2.dev20260603
libtpu: 0.0.44.dev20260713+nightly
codegen_flags: <defaults>
</compile_context>

<pallas_src>
import functools

import jax
import jax.numpy as jnp
from jax import lax
from jax.experimental import pallas as pl
from jax.experimental.pallas import tpu as pltpu
from jax.experimental.pallas import tpu_sc as plsc

EPS = 1e-5
LANES = 16
CHUNK = 128



def _sc_mesh():
    return plsc.VectorSubcoreMesh(core_axis_name="c", subcore_axis_name="s")


@functools.lru_cache(maxsize=None)
def _deg_kernel(NROWS, D, NC, NS, NCHUNK):
    rpt = NROWS // NS

    @functools.partial(
        pl.kernel,
        mesh=_sc_mesh(),
        out_type=jax.ShapeDtypeStruct((NC, NROWS, D), jnp.float32),
        scratch_types=[
            pltpu.VMEM((NCHUNK, CHUNK), jnp.int32),
            pltpu.VMEM((CHUNK, D), jnp.float32),
            pltpu.VMEM_SHARED((NROWS, D), jnp.float32),
        ],
    )
    def deg(dst_hbm, ones_hbm, zeros_hbm, out_hbm, dstblk, ones_v, acc):
        c = lax.axis_index("c")
        s = lax.axis_index("s")
        w = c * NS + s
        pltpu.sync_copy(dst_hbm.at[w], dstblk)
        pltpu.sync_copy(ones_hbm, ones_v)
        pltpu.sync_copy(zeros_hbm.at[pl.ds(s * rpt, rpt)],
                        acc.at[pl.ds(s * rpt, rpt)])
        plsc.subcore_barrier()

        def step(j, carry):
            pltpu.sync_copy(ones_v, acc.at[dstblk.at[j]], add=True)
            return carry

        lax.fori_loop(0, NCHUNK, step, 0)
        plsc.subcore_barrier()
        pltpu.sync_copy(acc.at[pl.ds(s * rpt, rpt)],
                        out_hbm.at[c, pl.ds(s * rpt, rpt)])

    return deg


SEG = 40


@functools.lru_cache(maxsize=None)
def _agg_kernel(NROWS, D, NC, NS, NCHUNK):
    rpt = NROWS // NS

    @functools.partial(
        pl.kernel,
        mesh=_sc_mesh(),
        out_type=jax.ShapeDtypeStruct((NC, NROWS, D), jnp.float32),
        scratch_types=[
            pltpu.VMEM((SEG, CHUNK), jnp.int32),
            pltpu.VMEM((SEG, CHUNK), jnp.int32),
            pltpu.VMEM((CHUNK, D), jnp.float32),
            pltpu.VMEM((CHUNK, D), jnp.float32),
            pltpu.VMEM_SHARED((NROWS, D), jnp.float32),
            pltpu.SemaphoreType.DMA,
            pltpu.SemaphoreType.DMA,
        ],
    )
    def agg(table_hbm, src_hbm, dst_hbm, zeros_hbm,
            out_hbm, srcseg, dstseg, rb0, rb1, acc, gs0, gs1):
        rbs = (rb0, rb1)
        gsems = (gs0, gs1)
        c = lax.axis_index("c")
        s = lax.axis_index("s")
        w = c * NS + s
        pltpu.sync_copy(zeros_hbm.at[pl.ds(s * rpt, rpt)],
                        acc.at[pl.ds(s * rpt, rpt)])
        plsc.subcore_barrier()

        def seg_body(g, carry):
            pltpu.sync_copy(src_hbm.at[w, pl.ds(g * SEG, SEG)], srcseg)
            pltpu.sync_copy(dst_hbm.at[w, pl.ds(g * SEG, SEG)], dstseg)
            for b in range(2):
                pltpu.async_copy(table_hbm.at[srcseg.at[b]],
                                 rbs[b], gsems[b])

            def pair(t, carry2):
                j0 = t * 2
                for b in range(2):
                    j = j0 + b
                    pltpu.make_async_copy(table_hbm.at[srcseg.at[j]],
                                          rbs[b], gsems[b]).wait()
                    pltpu.sync_copy(rbs[b], acc.at[dstseg.at[j]], add=True)
                    nxt = j + 2

                    @pl.when(nxt < SEG)
                    def _():
                        pltpu.async_copy(table_hbm.at[srcseg.at[nxt]],
                                         rbs[b], gsems[b])

                return carry2

            return lax.fori_loop(0, SEG // 2, pair, carry)

        lax.fori_loop(0, NCHUNK // SEG, seg_body, 0)
        plsc.subcore_barrier()
        pltpu.sync_copy(acc.at[pl.ds(s * rpt, rpt)],
                        out_hbm.at[c, pl.ds(s * rpt, rpt)])

    return agg



def _pre_body(degp_ref, x_ref, w1_ref, scaled_ref, dis_ref):
    N = x_ref.shape[0]
    cnt = degp_ref[0, 0:N, 0:1] + degp_ref[1, 0:N, 0:1]
    dis = lax.rsqrt(cnt + 1.0)
    dis_ref[...] = dis
    xw = jnp.dot(x_ref[...], w1_ref[...], preferred_element_type=jnp.float32)
    scaled_ref[...] = xw * dis


def _bn_prelu(p_ref, scaled_ref, dis_ref, b_ref, g_ref, be_ref, a_ref):
    dis = dis_ref[...]
    N = scaled_ref.shape[0]
    h = (p_ref[0, 0:N] + p_ref[1, 0:N] + scaled_ref[...]) * dis + b_ref[...]
    mean = jnp.mean(h, axis=0, keepdims=True)
    d = h - mean
    var = jnp.mean(d * d, axis=0, keepdims=True)
    hn = d * lax.rsqrt(var + EPS) * g_ref[...] + be_ref[...]
    aa = a_ref[...]
    return jnp.where(hn >= 0.0, hn, aa * hn), dis


def _mid_body(p_ref, scaled_ref, dis_ref, b_ref, g_ref, be_ref, a_ref,
              w2_ref, out_ref):
    h, dis = _bn_prelu(p_ref, scaled_ref, dis_ref, b_ref, g_ref, be_ref, a_ref)
    out_ref[...] = jnp.dot(h, w2_ref[...],
                           preferred_element_type=jnp.float32) * dis


def _post_body(p_ref, scaled_ref, dis_ref, b_ref, g_ref, be_ref, a_ref,
               out_ref):
    h, _ = _bn_prelu(p_ref, scaled_ref, dis_ref, b_ref, g_ref, be_ref, a_ref)
    out_ref[...] = h



def kernel(x, edge_index, W1, b1, gamma1, beta1, a1, W2, b2, gamma2, beta2, a2):
    N, _ = x.shape
    D = W1.shape[1]
    E = edge_index.shape[1]
    info = plsc.get_sparse_core_info()
    NC, NS = info.num_cores, info.num_subcores
    NW = NC * NS
    NCHUNK = -(-E // (NW * CHUNK))
    NCHUNK = -(-NCHUNK // SEG) * SEG
    EPAD = NW * NCHUNK * CHUNK
    NROWS = -(-(N + 1) // (NS * 8)) * (NS * 8)

    src = edge_index[0].astype(jnp.int32)
    dst = edge_index[1].astype(jnp.int32)
    npad = EPAD - E
    pad_src = (jnp.arange(npad, dtype=jnp.int32) * 37) % N
    pad_dst = N + (jnp.arange(npad, dtype=jnp.int32) % (NROWS - N))
    src3 = jnp.concatenate([src, pad_src]).reshape(NW, NCHUNK, CHUNK)
    dst3 = jnp.concatenate([dst, pad_dst]).reshape(NW, NCHUNK, CHUNK)

    zeros128 = jnp.zeros((NROWS, D), jnp.float32)
    ones_rows = jnp.ones((CHUNK, D), jnp.float32)

    degp = _deg_kernel(NROWS, D, NC, NS, NCHUNK)(dst3, ones_rows, zeros128)

    scaled1, dis = pl.pallas_call(
        _pre_body,
        out_shape=[jax.ShapeDtypeStruct((N, D), jnp.float32),
                   jax.ShapeDtypeStruct((N, 1), jnp.float32)],
    )(degp, x, W1)

    agg = _agg_kernel(NROWS, D, NC, NS, NCHUNK)
    b1r, g1r, be1r = b1.reshape(1, D), gamma1.reshape(1, D), beta1.reshape(1, D)
    b2r, g2r, be2r = b2.reshape(1, D), gamma2.reshape(1, D), beta2.reshape(1, D)
    a1r, a2r = a1.reshape(1, 1), a2.reshape(1, 1)

    p1 = agg(scaled1, src3, dst3, zeros128)
    scaled2 = pl.pallas_call(
        _mid_body,
        out_shape=jax.ShapeDtypeStruct((N, D), jnp.float32),
    )(p1, scaled1, dis, b1r, g1r, be1r, a1r, W2)

    p2 = agg(scaled2, src3, dst3, zeros128)
    out = pl.pallas_call(
        _post_body,
        out_shape=jax.ShapeDtypeStruct((N, D), jnp.float32),
    )(p2, scaled2, dis, b2r, g2r, be2r, a2r)

    return out

# --- scband reference (transcript-rebuilt; emitter-appended) ---
"""Pipeline reference for scband-encoder-53377853554926 (READ-ONLY COPY).

The authoritative reference and input builder live on the scoring server;
editing this copy changes nothing except your own understanding.
"""

import jax, jax.numpy as jnp
import numpy as np

N_NODES = 10000
N_EDGES = 320000
D_IN = 128
D_HID = 128
D_OUT = 128
EPS = 1e-5


def setup_inputs(seed: int = 0) -> dict:
    key = jax.random.key(seed)
    ks = jax.random.split(key, 12)
    x = jax.random.normal(ks[0], (N_NODES, D_IN), dtype=jnp.float32)
    edge_index = jax.random.randint(ks[1], (2, N_EDGES), 0, N_NODES, dtype=jnp.int64)
    W1 = jax.random.normal(ks[2], (D_IN, D_HID), dtype=jnp.float32) * (1.0 / np.sqrt(D_IN))
    b1 = jnp.zeros((D_HID,), dtype=jnp.float32)
    gamma1 = jnp.ones((D_HID,), dtype=jnp.float32)
    beta1 = jnp.zeros((D_HID,), dtype=jnp.float32)
    a1 = jnp.asarray(0.25, dtype=jnp.float32)
    W2 = jax.random.normal(ks[3], (D_HID, D_OUT), dtype=jnp.float32) * (1.0 / np.sqrt(D_HID))
    b2 = jnp.zeros((D_OUT,), dtype=jnp.float32)
    gamma2 = jnp.ones((D_OUT,), dtype=jnp.float32)
    beta2 = jnp.zeros((D_OUT,), dtype=jnp.float32)
    a2 = jnp.asarray(0.25, dtype=jnp.float32)
    return {"x": x, "edge_index": edge_index, "W1": W1, "b1": b1,
            "gamma1": gamma1, "beta1": beta1, "a1": a1,
            "W2": W2, "b2": b2, "gamma2": gamma2, "beta2": beta2, "a2": a2}


def gcn_conv(x, edge_index, W, b):
    # PyG GCNConv with add_self_loops=True, symmetric normalization
    num_nodes = x.shape[0]
    loop = jnp.arange(num_nodes, dtype=edge_index.dtype)
    src = jnp.concatenate([edge_index[0], loop])
    dst = jnp.concatenate([edge_index[1], loop])
    ew = jnp.ones(src.shape[0], dtype=x.dtype)
    deg = jnp.zeros((num_nodes,), dtype=x.dtype).at[dst].add(ew)
    deg_inv_sqrt = jnp.where(deg > 0, deg ** -0.5, 0.0)
    norm = deg_inv_sqrt[src] * ew * deg_inv_sqrt[dst]
    xw = x @ W
    msg = jnp.take(xw, src, axis=0) * norm[:, None]
    out = jnp.zeros((num_nodes, W.shape[1]), dtype=x.dtype).at[dst].add(msg)
    return out + b


def batch_norm(x, gamma, beta):
    mean = jnp.mean(x, axis=0)
    var = jnp.mean((x - mean) ** 2, axis=0)
    xn = (x - mean) / jnp.sqrt(var + EPS)
    return xn * gamma + beta


def prelu(x, a):
    return jnp.where(x >= 0, x, a * x)


def reference(x, edge_index, W1, b1, gamma1, beta1, a1, W2, b2, gamma2, beta2, a2):
    h = gcn_conv(x, edge_index, W1, b1)
    h = prelu(batch_norm(h, gamma1, beta1), a1)
    h = gcn_conv(h, edge_index, W2, b2)
    h = prelu(batch_norm(h, gamma2, beta2), a2)
    return h

if __name__ == "__main__":
    import jax
    _d = setup_inputs()
    print(jax.jit(kernel)(*tuple(_d.values())))

</pallas_src>

<mosaic_0001>
#map = affine_map<(d0, d1) -> (0, 0, 0)>
#map1 = affine_map<(d0, d1) -> (0, 0)>
module attributes {stable_mosaic.version = 14 : i64} {
  func.func @deg(%arg0: i32, %arg1: i32, %arg2: memref<32x80x128xi32, #tpu.memory_space<hbm>>, %arg3: memref<128x128xf32, #tpu.memory_space<hbm>>, %arg4: memref<10112x128xf32, #tpu.memory_space<hbm>>, %arg5: memref<2x10112x128xf32, #tpu.memory_space<hbm>>, %arg6: memref<80x128xi32, #tpu.memory_space<vmem>>, %arg7: memref<128x128xf32, #tpu.memory_space<vmem>>, %arg8: memref<10112x128xf32, #tpu.memory_space<vmem_shared>>) attributes {dimension_semantics = [#tpu.dimension_semantics<core_parallel>, #tpu.dimension_semantics<subcore_parallel>], iteration_bounds = array<i64: 2, 16>, scalar_prefetch = 0 : i64, scratch_operands = 3 : i64, tpu.core_type = #tpu.core_type<sc_vector_subcore>, window_params = [{transform_indices = #map}, {transform_indices = #map1}, {transform_indices = #map1}, {transform_indices = #map}]} {
    %mul3A = arith.constant 16 : i32
    %mul3A_0 = arith.muli %arg0, %mul3A : i32
    %add3A = arith.addi %mul3A_0, %arg1 : i32
    "tpu.region"() ({
      %run_scoped3A = tpu.sem_alloc : memref<!tpu.dma_semaphore, #tpu.memory_space<semaphore_mem>>
      %dma_start3A = arith.constant 0 : i32
      %dma_start3A_15 = arith.constant 0 : i32
      %dma_start3A_16 = tpu.memref_slice %arg2[%add3A, %dma_start3A, %dma_start3A_15] : memref<32x80x128xi32, #tpu.memory_space<hbm>> -> memref<1x80x128xi32, #tpu.memory_space<hbm>>
      %dma_start3A_17 = tpu.memref_squeeze %dma_start3A_16 : memref<1x80x128xi32, #tpu.memory_space<hbm>> -> memref<80x128xi32, #tpu.memory_space<hbm>>
      %dma_start3A_18 = arith.constant 0 : i32
      %dma_start3A_19 = arith.constant 0 : i32
      %dma_start3A_20 = tpu.memref_slice %arg2[%add3A, %dma_start3A_18, %dma_start3A_19] : memref<32x80x128xi32, #tpu.memory_space<hbm>> -> memref<1x80x128xi32, #tpu.memory_space<hbm>>
      %dma_start3A_21 = tpu.memref_squeeze %dma_start3A_20 : memref<1x80x128xi32, #tpu.memory_space<hbm>> -> memref<80x128xi32, #tpu.memory_space<hbm>>
      tpu.enqueue_dma source(%dma_start3A_21 : memref<80x128xi32, #tpu.memory_space<hbm>>) target(%arg6 : memref<80x128xi32, #tpu.memory_space<vmem>>) target_semaphore(%run_scoped3A : memref<!tpu.dma_semaphore, #tpu.memory_space<semaphore_mem>>)
      %dma_wait3A = arith.constant 0 : i32
      %dma_wait3A_22 = arith.constant 0 : i32
      %dma_wait3A_23 = tpu.memref_slice %arg2[%add3A, %dma_wait3A, %dma_wait3A_22] : memref<32x80x128xi32, #tpu.memory_space<hbm>> -> memref<1x80x128xi32, #tpu.memory_space<hbm>>
      %dma_wait3A_24 = tpu.memref_squeeze %dma_wait3A_23 : memref<1x80x128xi32, #tpu.memory_space<hbm>> -> memref<80x128xi32, #tpu.memory_space<hbm>>
      %dma_wait3A_25 = arith.constant 0 : i32
      %dma_wait3A_26 = arith.constant 0 : i32
      %dma_wait3A_27 = tpu.memref_slice %arg2[%add3A, %dma_wait3A_25, %dma_wait3A_26] : memref<32x80x128xi32, #tpu.memory_space<hbm>> -> memref<1x80x128xi32, #tpu.memory_space<hbm>>
      %dma_wait3A_28 = tpu.memref_squeeze %dma_wait3A_27 : memref<1x80x128xi32, #tpu.memory_space<hbm>> -> memref<80x128xi32, #tpu.memory_space<hbm>>
      tpu.wait_dma2 semaphore(%run_scoped3A : memref<!tpu.dma_semaphore, #tpu.memory_space<semaphore_mem>>) src(%dma_wait3A_28 : memref<80x128xi32, #tpu.memory_space<hbm>>) dst(%arg6 : memref<80x128xi32, #tpu.memory_space<vmem>>)
      tpu.yield
    }) : () -> ()
    "tpu.region"() ({
      %run_scoped3A = tpu.sem_alloc : memref<!tpu.dma_semaphore, #tpu.memory_space<semaphore_mem>>
      tpu.enqueue_dma source(%arg3 : memref<128x128xf32, #tpu.memory_space<hbm>>) target(%arg7 : memref<128x128xf32, #tpu.memory_space<vmem>>) target_semaphore(%run_scoped3A : memref<!tpu.dma_semaphore, #tpu.memory_space<semaphore_mem>>)
      tpu.wait_dma2 semaphore(%run_scoped3A : memref<!tpu.dma_semaphore, #tpu.memory_space<semaphore_mem>>) src(%arg3 : memref<128x128xf32, #tpu.memory_space<hbm>>) dst(%arg7 : memref<128x128xf32, #tpu.memory_space<vmem>>)
      tpu.yield
    }) : () -> ()
    %mul3A_1 = arith.constant 632 : i32
    %mul3A_2 = arith.muli %arg1, %mul3A_1 : i32
    %mul3A_3 = arith.constant 632 : i32
    %mul3A_4 = arith.muli %arg1, %mul3A_3 : i32
    "tpu.region"() ({
      %run_scoped3A = tpu.sem_alloc : memref<!tpu.dma_semaphore, #tpu.memory_space<semaphore_mem>>
      %dma_start3A = arith.constant 0 : i32
      %dma_start3A_15 = tpu.memref_slice %arg8[%mul3A_4, %dma_start3A] : memref<10112x128xf32, #tpu.memory_space<vmem_shared>> -> memref<632x128xf32, #tpu.memory_space<vmem_shared>>
      %dma_start3A_16 = arith.constant 0 : i32
      %dma_start3A_17 = tpu.memref_slice %arg4[%mul3A_2, %dma_start3A_16] : memref<10112x128xf32, #tpu.memory_space<hbm>> -> memref<632x128xf32, #tpu.memory_space<hbm>>
      tpu.enqueue_dma source(%dma_start3A_17 : memref<632x128xf32, #tpu.memory_space<hbm>>) target(%dma_start3A_15 : memref<632x128xf32, #tpu.memory_space<vmem_shared>>) target_semaphore(%run_scoped3A : memref<!tpu.dma_semaphore, #tpu.memory_space<semaphore_mem>>)
      %dma_wait3A = arith.constant 0 : i32
      %dma_wait3A_18 = tpu.memref_slice %arg8[%mul3A_4, %dma_wait3A] : memref<10112x128xf32, #tpu.memory_space<vmem_shared>> -> memref<632x128xf32, #tpu.memory_space<vmem_shared>>
      %dma_wait3A_19 = arith.constant 0 : i32
      %dma_wait3A_20 = tpu.memref_slice %arg4[%mul3A_2, %dma_wait3A_19] : memref<10112x128xf32, #tpu.memory_space<hbm>> -> memref<632x128xf32, #tpu.memory_space<hbm>>
      tpu.wait_dma2 semaphore(%run_scoped3A : memref<!tpu.dma_semaphore, #tpu.memory_space<semaphore_mem>>) src(%dma_wait3A_20 : memref<632x128xf32, #tpu.memory_space<hbm>>) dst(%dma_wait3A_18 : memref<632x128xf32, #tpu.memory_space<vmem_shared>>)
      tpu.yield
    }) : () -> ()
    %barrier3A = arith.constant 0 : index
    tpu.barrier barrier_id(%barrier3A)
    %scan3A = arith.constant 0 : i32
    %scan3A_5 = arith.constant 0 : i32
    %scan3A_6 = arith.constant 80 : i32
    %scan3A_7 = arith.addi %scan3A_5, %scan3A_6 : i32
    %scan3A_8 = arith.constant 1 : i32
    scf.for %scan3A_15 = %scan3A_5 to %scan3A_7 step %scan3A_8  : i32 {
      "tpu.region"() ({
        %run_scoped3A = tpu.sem_alloc : memref<!tpu.dma_semaphore, #tpu.memory_space<semaphore_mem>>
        %dma_start3A = arith.constant 0 : i32
        %dma_start3A_16 = tpu.memref_slice %arg6[%scan3A_15, %dma_start3A] : memref<80x128xi32, #tpu.memory_space<vmem>> -> memref<1x128xi32, #tpu.memory_space<vmem>>
        %dma_start3A_17 = tpu.memref_squeeze %dma_start3A_16 : memref<1x128xi32, #tpu.memory_space<vmem>> -> memref<128xi32, #tpu.memory_space<vmem>>
        %dma_start3A_18 = arith.constant 0 : i32
        %dma_start3A_19 = arith.constant 0 : i32
        %dma_start3A_20 = tpu.memref_slice %arg8[%dma_start3A_18, %dma_start3A_19] : memref<10112x128xf32, #tpu.memory_space<vmem_shared>> -> memref<10112x128xf32, #tpu.memory_space<vmem_shared>>
        tpu.enqueue_indirect_dma source(%arg7 : memref<128x128xf32, #tpu.memory_space<vmem>>) target(%dma_start3A_20 : memref<10112x128xf32, #tpu.memory_space<vmem_shared>>) offsets(%dma_start3A_17 : memref<128xi32, #tpu.memory_space<vmem>>) semaphore(%run_scoped3A : memref<!tpu.dma_semaphore, #tpu.memory_space<semaphore_mem>>) {add = true}
        %dma_wait3A = arith.constant 0 : i32
        %dma_wait3A_21 = tpu.memref_slice %arg6[%scan3A_15, %dma_wait3A] : memref<80x128xi32, #tpu.memory_space<vmem>> -> memref<1x128xi32, #tpu.memory_space<vmem>>
        %dma_wait3A_22 = tpu.memref_squeeze %dma_wait3A_21 : memref<1x128xi32, #tpu.memory_space<vmem>> -> memref<128xi32, #tpu.memory_space<vmem>>
        %dma_wait3A_23 = arith.constant 0 : i32
        %dma_wait3A_24 = arith.constant 0 : i32
        %dma_wait3A_25 = tpu.memref_slice %arg8[%dma_wait3A_23, %dma_wait3A_24] : memref<10112x128xf32, #tpu.memory_space<vmem_shared>> -> memref<10112x128xf32, #tpu.memory_space<vmem_shared>>
        tpu.wait_indirect_dma semaphore(%run_scoped3A : memref<!tpu.dma_semaphore, #tpu.memory_space<semaphore_mem>>) src(%arg7 : memref<128x128xf32, #tpu.memory_space<vmem>>) dst(%dma_wait3A_25 : memref<10112x128xf32, #tpu.memory_space<vmem_shared>>)
        tpu.yield
      }) : () -> ()
    }
    %scan3A_9 = arith.constant 80 : i32
    %barrier3A_10 = arith.constant 0 : index
    tpu.barrier barrier_id(%barrier3A_10)
    %mul3A_11 = arith.constant 632 : i32
    %mul3A_12 = arith.muli %arg1, %mul3A_11 : i32
    %mul3A_13 = arith.constant 632 : i32
    %mul3A_14 = arith.muli %arg1, %mul3A_13 : i32
    "tpu.region"() ({
      %run_scoped3A = tpu.sem_alloc : memref<!tpu.dma_semaphore, #tpu.memory_space<semaphore_mem>>
      %dma_start3A = arith.constant 0 : i32
      %dma_start3A_15 = tpu.memref_slice %arg5[%arg0, %mul3A_14, %dma_start3A] : memref<2x10112x128xf32, #tpu.memory_space<hbm>> -> memref<1x632x128xf32, #tpu.memory_space<hbm>>
      %dma_start3A_16 = tpu.memref_squeeze %dma_start3A_15 : memref<1x632x128xf32, #tpu.memory_space<hbm>> -> memref<632x128xf32, #tpu.memory_space<hbm>>
      %dma_start3A_17 = arith.constant 0 : i32
      %dma_start3A_18 = tpu.memref_slice %arg8[%mul3A_12, %dma_start3A_17] : memref<10112x128xf32, #tpu.memory_space<vmem_shared>> -> memref<632x128xf32, #tpu.memory_space<vmem_shared>>
      tpu.enqueue_dma source(%dma_start3A_18 : memref<632x128xf32, #tpu.memory_space<vmem_shared>>) target(%dma_start3A_16 : memref<632x128xf32, #tpu.memory_space<hbm>>) target_semaphore(%run_scoped3A : memref<!tpu.dma_semaphore, #tpu.memory_space<semaphore_mem>>)
      %dma_wait3A = arith.constant 0 : i32
      %dma_wait3A_19 = tpu.memref_slice %arg5[%arg0, %mul3A_14, %dma_wait3A] : memref<2x10112x128xf32, #tpu.memory_space<hbm>> -> memref<1x632x128xf32, #tpu.memory_space<hbm>>
      %dma_wait3A_20 = tpu.memref_squeeze %dma_wait3A_19 : memref<1x632x128xf32, #tpu.memory_space<hbm>> -> memref<632x128xf32, #tpu.memory_space<hbm>>
      %dma_wait3A_21 = arith.constant 0 : i32
      %dma_wait3A_22 = tpu.memref_slice %arg8[%mul3A_12, %dma_wait3A_21] : memref<10112x128xf32, #tpu.memory_space<vmem_shared>> -> memref<632x128xf32, #tpu.memory_space<vmem_shared>>
      tpu.wait_dma2 semaphore(%run_scoped3A : memref<!tpu.dma_semaphore, #tpu.memory_space<semaphore_mem>>) src(%dma_wait3A_22 : memref<632x128xf32, #tpu.memory_space<vmem_shared>>) dst(%dma_wait3A_20 : memref<632x128xf32, #tpu.memory_space<hbm>>)
      tpu.yield
    }) : () -> ()
    return
  }
}

#map = affine_map<(d0, d1) -> (0, 0)>
#map1 = affine_map<(d0, d1) -> (0, 0, 0)>
module attributes {stable_mosaic.version = 14 : i64} {
  func.func @agg(%arg0: i32, %arg1: i32, %arg2: memref<10000x128xf32, #tpu.memory_space<hbm>>, %arg3: memref<32x80x128xi32, #tpu.memory_space<hbm>>, %arg4: memref<32x80x128xi32, #tpu.memory_space<hbm>>, %arg5: memref<10112x128xf32, #tpu.memory_space<hbm>>, %arg6: memref<2x10112x128xf32, #tpu.memory_space<hbm>>, %arg7: memref<40x128xi32, #tpu.memory_space<vmem>>, %arg8: memref<40x128xi32, #tpu.memory_space<vmem>>, %arg9: memref<128x128xf32, #tpu.memory_space<vmem>>, %arg10: memref<128x128xf32, #tpu.memory_space<vmem>>, %arg11: memref<10112x128xf32, #tpu.memory_space<vmem_shared>>, %arg12: memref<!tpu.dma_semaphore, #tpu.memory_space<semaphore_mem>>, %arg13: memref<!tpu.dma_semaphore, #tpu.memory_space<semaphore_mem>>) attributes {dimension_semantics = [#tpu.dimension_semantics<core_parallel>, #tpu.dimension_semantics<subcore_parallel>], iteration_bounds = array<i64: 2, 16>, scalar_prefetch = 0 : i64, scratch_operands = 7 : i64, tpu.core_type = #tpu.core_type<sc_vector_subcore>, window_params = [{transform_indices = #map}, {transform_indices = #map1}, {transform_indices = #map1}, {transform_indices = #map}, {transform_indices = #map1}]} {
    %mul3A = arith.constant 16 : i32
    %mul3A_0 = arith.muli %arg0, %mul3A : i32
    %add3A = arith.addi %mul3A_0, %arg1 : i32
    %mul3A_1 = arith.constant 632 : i32
    %mul3A_2 = arith.muli %arg1, %mul3A_1 : i32
    %mul3A_3 = arith.constant 632 : i32
    %mul3A_4 = arith.muli %arg1, %mul3A_3 : i32
    "tpu.region"() ({
      %run_scoped3A = tpu.sem_alloc : memref<!tpu.dma_semaphore, #tpu.memory_space<semaphore_mem>>
      %dma_start3A = arith.constant 0 : i32
      %dma_start3A_15 = tpu.memref_slice %arg11[%mul3A_4, %dma_start3A] : memref<10112x128xf32, #tpu.memory_space<vmem_shared>> -> memref<632x128xf32, #tpu.memory_space<vmem_shared>>
      %dma_start3A_16 = arith.constant 0 : i32
      %dma_start3A_17 = tpu.memref_slice %arg5[%mul3A_2, %dma_start3A_16] : memref<10112x128xf32, #tpu.memory_space<hbm>> -> memref<632x128xf32, #tpu.memory_space<hbm>>
      tpu.enqueue_dma source(%dma_start3A_17 : memref<632x128xf32, #tpu.memory_space<hbm>>) target(%dma_start3A_15 : memref<632x128xf32, #tpu.memory_space<vmem_shared>>) target_semaphore(%run_scoped3A : memref<!tpu.dma_semaphore, #tpu.memory_space<semaphore_mem>>)
      %dma_wait3A = arith.constant 0 : i32
      %dma_wait3A_18 = tpu.memref_slice %arg11[%mul3A_4, %dma_wait3A] : memref<10112x128xf32, #tpu.memory_space<vmem_shared>> -> memref<632x128xf32, #tpu.memory_space<vmem_shared>>
      %dma_wait3A_19 = arith.constant 0 : i32
      %dma_wait3A_20 = tpu.memref_slice %arg5[%mul3A_2, %dma_wait3A_19] : memref<10112x128xf32, #tpu.memory_space<hbm>> -> memref<632x128xf32, #tpu.memory_space<hbm>>
      tpu.wait_dma2 semaphore(%run_scoped3A : memref<!tpu.dma_semaphore, #tpu.memory_space<semaphore_mem>>) src(%dma_wait3A_20 : memref<632x128xf32, #tpu.memory_space<hbm>>) dst(%dma_wait3A_18 : memref<632x128xf32, #tpu.memory_space<vmem_shared>>)
      tpu.yield
    }) : () -> ()
    %barrier3A = arith.constant 0 : index
    tpu.barrier barrier_id(%barrier3A)
    %scan3A = arith.constant 0 : i32
    %scan3A_5 = arith.constant 0 : i32
    %scan3A_6 = arith.constant 2 : i32
    %scan3A_7 = arith.addi %scan3A_5, %scan3A_6 : i32
    %scan3A_8 = arith.constant 1 : i32
    scf.for %scan3A_15 = %scan3A_5 to %scan3A_7 step %scan3A_8  : i32 {
      %mul3A_16 = arith.constant 40 : i32
      %mul3A_17 = arith.muli %scan3A_15, %mul3A_16 : i32
      "tpu.region"() ({
        %run_scoped3A = tpu.sem_alloc : memref<!tpu.dma_semaphore, #tpu.memory_space<semaphore_mem>>
        %dma_start3A_38 = arith.constant 0 : i32
        %dma_start3A_39 = tpu.memref_slice %arg3[%add3A, %mul3A_17, %dma_start3A_38] : memref<32x80x128xi32, #tpu.memory_space<hbm>> -> memref<1x40x128xi32, #tpu.memory_space<hbm>>
        %dma_start3A_40 = tpu.memref_squeeze %dma_start3A_39 : memref<1x40x128xi32, #tpu.memory_space<hbm>> -> memref<40x128xi32, #tpu.memory_space<hbm>>
        %dma_start3A_41 = arith.constant 0 : i32
        %dma_start3A_42 = tpu.memref_slice %arg3[%add3A, %mul3A_17, %dma_start3A_41] : memref<32x80x128xi32, #tpu.memory_space<hbm>> -> memref<1x40x128xi32, #tpu.memory_space<hbm>>
        %dma_start3A_43 = tpu.memref_squeeze %dma_start3A_42 : memref<1x40x128xi32, #tpu.memory_space<hbm>> -> memref<40x128xi32, #tpu.memory_space<hbm>>
        tpu.enqueue_dma source(%dma_start3A_43 : memref<40x128xi32, #tpu.memory_space<hbm>>) target(%arg7 : memref<40x128xi32, #tpu.memory_space<vmem>>) target_semaphore(%run_scoped3A : memref<!tpu.dma_semaphore, #tpu.memory_space<semaphore_mem>>)
        %dma_wait3A = arith.constant 0 : i32
        %dma_wait3A_44 = tpu.memref_slice %arg3[%add3A, %mul3A_17, %dma_wait3A] : memref<32x80x128xi32, #tpu.memory_space<hbm>> -> memref<1x40x128xi32, #tpu.memory_space<hbm>>
        %dma_wait3A_45 = tpu.memref_squeeze %dma_wait3A_44 : memref<1x40x128xi32, #tpu.memory_space<hbm>> -> memref<40x128xi32, #tpu.memory_space<hbm>>
        %dma_wait3A_46 = arith.constant 0 : i32
        %dma_wait3A_47 = tpu.memref_slice %arg3[%add3A, %mul3A_17, %dma_wait3A_46] : memref<32x80x128xi32, #tpu.memory_space<hbm>> -> memref<1x40x128xi32, #tpu.memory_space<hbm>>
        %dma_wait3A_48 = tpu.memref_squeeze %dma_wait3A_47 : memref<1x40x128xi32, #tpu.memory_space<hbm>> -> memref<40x128xi32, #tpu.memory_space<hbm>>
        tpu.wait_dma2 semaphore(%run_scoped3A : memref<!tpu.dma_semaphore, #tpu.memory_space<semaphore_mem>>) src(%dma_wait3A_48 : memref<40x128xi32, #tpu.memory_space<hbm>>) dst(%arg7 : memref<40x128xi32, #tpu.memory_space<vmem>>)
        tpu.yield
      }) : () -> ()
      %mul3A_18 = arith.constant 40 : i32
      %mul3A_19 = arith.muli %scan3A_15, %mul3A_18 : i32
      "tpu.region"() ({
        %run_scoped3A = tpu.sem_alloc : memref<!tpu.dma_semaphore, #tpu.memory_space<semaphore_mem>>
        %dma_start3A_38 = arith.constant 0 : i32
        %dma_start3A_39 = tpu.memref_slice %arg4[%add3A, %mul3A_19, %dma_start3A_38] : memref<32x80x128xi32, #tpu.memory_space<hbm>> -> memref<1x40x128xi32, #tpu.memory_space<hbm>>
        %dma_start3A_40 = tpu.memref_squeeze %dma_start3A_39 : memref<1x40x128xi32, #tpu.memory_space<hbm>> -> memref<40x128xi32, #tpu.memory_space<hbm>>
        %dma_start3A_41 = arith.constant 0 : i32
        %dma_start3A_42 = tpu.memref_slice %arg4[%add3A, %mul3A_19, %dma_start3A_41] : memref<32x80x128xi32, #tpu.memory_space<hbm>> -> memref<1x40x128xi32, #tpu.memory_space<hbm>>
        %dma_start3A_43 = tpu.memref_squeeze %dma_start3A_42 : memref<1x40x128xi32, #tpu.memory_space<hbm>> -> memref<40x128xi32, #tpu.memory_space<hbm>>
        tpu.enqueue_dma source(%dma_start3A_43 : memref<40x128xi32, #tpu.memory_space<hbm>>) target(%arg8 : memref<40x128xi32, #tpu.memory_space<vmem>>) target_semaphore(%run_scoped3A : memref<!tpu.dma_semaphore, #tpu.memory_space<semaphore_mem>>)
        %dma_wait3A = arith.constant 0 : i32
        %dma_wait3A_44 = tpu.memref_slice %arg4[%add3A, %mul3A_19, %dma_wait3A] : memref<32x80x128xi32, #tpu.memory_space<hbm>> -> memref<1x40x128xi32, #tpu.memory_space<hbm>>
        %dma_wait3A_45 = tpu.memref_squeeze %dma_wait3A_44 : memref<1x40x128xi32, #tpu.memory_space<hbm>> -> memref<40x128xi32, #tpu.memory_space<hbm>>
        %dma_wait3A_46 = arith.constant 0 : i32
        %dma_wait3A_47 = tpu.memref_slice %arg4[%add3A, %mul3A_19, %dma_wait3A_46] : memref<32x80x128xi32, #tpu.memory_space<hbm>> -> memref<1x40x128xi32, #tpu.memory_space<hbm>>
        %dma_wait3A_48 = tpu.memref_squeeze %dma_wait3A_47 : memref<1x40x128xi32, #tpu.memory_space<hbm>> -> memref<40x128xi32, #tpu.memory_space<hbm>>
        tpu.wait_dma2 semaphore(%run_scoped3A : memref<!tpu.dma_semaphore, #tpu.memory_space<semaphore_mem>>) src(%dma_wait3A_48 : memref<40x128xi32, #tpu.memory_space<hbm>>) dst(%arg8 : memref<40x128xi32, #tpu.memory_space<vmem>>)
        tpu.yield
      }) : () -> ()
      %dma_start3A = arith.constant 0 : i32
      %dma_start3A_20 = arith.constant 0 : i32
      %dma_start3A_21 = tpu.memref_slice %arg7[%dma_start3A, %dma_start3A_20] : memref<40x128xi32, #tpu.memory_space<vmem>> -> memref<1x128xi32, #tpu.memory_space<vmem>>
      %dma_start3A_22 = tpu.memref_squeeze %dma_start3A_21 : memref<1x128xi32, #tpu.memory_space<vmem>> -> memref<128xi32, #tpu.memory_space<vmem>>
      %dma_start3A_23 = arith.constant 0 : i32
      %dma_start3A_24 = arith.constant 0 : i32
      %dma_start3A_25 = tpu.memref_slice %arg2[%dma_start3A_23, %dma_start3A_24] : memref<10000x128xf32, #tpu.memory_space<hbm>> -> memref<10000x128xf32, #tpu.memory_space<hbm>>
      tpu.enqueue_indirect_dma source(%dma_start3A_25 : memref<10000x128xf32, #tpu.memory_space<hbm>>) target(%arg9 : memref<128x128xf32, #tpu.memory_space<vmem>>) offsets(%dma_start3A_22 : memref<128xi32, #tpu.memory_space<vmem>>) semaphore(%arg12 : memref<!tpu.dma_semaphore, #tpu.memory_space<semaphore_mem>>)
      %dma_start3A_26 = arith.constant 1 : i32
      %dma_start3A_27 = arith.constant 0 : i32
      %dma_start3A_28 = tpu.memref_slice %arg7[%dma_start3A_26, %dma_start3A_27] : memref<40x128xi32, #tpu.memory_space<vmem>> -> memref<1x128xi32, #tpu.memory_space<vmem>>
      %dma_start3A_29 = tpu.memref_squeeze %dma_start3A_28 : memref<1x128xi32, #tpu.memory_space<vmem>> -> memref<128xi32, #tpu.memory_space<vmem>>
      %dma_start3A_30 = arith.constant 0 : i32
      %dma_start3A_31 = arith.constant 0 : i32
      %dma_start3A_32 = tpu.memref_slice %arg2[%dma_start3A_30, %dma_start3A_31] : memref<10000x128xf32, #tpu.memory_space<hbm>> -> memref<10000x128xf32, #tpu.memory_space<hbm>>
      tpu.enqueue_indirect_dma source(%dma_start3A_32 : memref<10000x128xf32, #tpu.memory_space<hbm>>) target(%arg10 : memref<128x128xf32, #tpu.memory_space<vmem>>) offsets(%dma_start3A_29 : memref<128xi32, #tpu.memory_space<vmem>>) semaphore(%arg13 : memref<!tpu.dma_semaphore, #tpu.memory_space<semaphore_mem>>)
      %scan3A_33 = arith.constant 0 : i32
      %scan3A_34 = arith.constant 20 : i32
      %scan3A_35 = arith.addi %scan3A_33, %scan3A_34 : i32
      %scan3A_36 = arith.constant 1 : i32
      scf.for %scan3A_38 = %scan3A_33 to %scan3A_35 step %scan3A_36  : i32 {
        %mul3A_39 = arith.constant 2 : i32
        %mul3A_40 = arith.muli %scan3A_38, %mul3A_39 : i32
        %add3A_41 = arith.constant 0 : i32
        %add3A_42 = arith.addi %mul3A_40, %add3A_41 : i32
        %dma_wait3A = arith.constant 0 : i32
        %dma_wait3A_43 = tpu.memref_slice %arg7[%add3A_42, %dma_wait3A] : memref<40x128xi32, #tpu.memory_space<vmem>> -> memref<1x128xi32, #tpu.memory_space<vmem>>
        %dma_wait3A_44 = tpu.memref_squeeze %dma_wait3A_43 : memref<1x128xi32, #tpu.memory_space<vmem>> -> memref<128xi32, #tpu.memory_space<vmem>>
        %dma_wait3A_45 = arith.constant 0 : i32
        %dma_wait3A_46 = arith.constant 0 : i32
        %dma_wait3A_47 = tpu.memref_slice %arg2[%dma_wait3A_45, %dma_wait3A_46] : memref<10000x128xf32, #tpu.memory_space<hbm>> -> memref<10000x128xf32, #tpu.memory_space<hbm>>
        tpu.wait_indirect_dma semaphore(%arg12 : memref<!tpu.dma_semaphore, #tpu.memory_space<semaphore_mem>>) src(%dma_wait3A_47 : memref<10000x128xf32, #tpu.memory_space<hbm>>) dst(%arg9 : memref<128x128xf32, #tpu.memory_space<vmem>>)
        "tpu.region"() ({
          %run_scoped3A = tpu.sem_alloc : memref<!tpu.dma_semaphore, #tpu.memory_space<semaphore_mem>>
          %dma_start3A_67 = arith.constant 0 : i32
          %dma_start3A_68 = tpu.memref_slice %arg8[%add3A_42, %dma_start3A_67] : memref<40x128xi32, #tpu.memory_space<vmem>> -> memref<1x128xi32, #tpu.memory_space<vmem>>
          %dma_start3A_69 = tpu.memref_squeeze %dma_start3A_68 : memref<1x128xi32, #tpu.memory_space<vmem>> -> memref<128xi32, #tpu.memory_space<vmem>>
          %dma_start3A_70 = arith.constant 0 : i32
          %dma_start3A_71 = arith.constant 0 : i32
          %dma_start3A_72 = tpu.memref_slice %arg11[%dma_start3A_70, %dma_start3A_71] : memref<10112x128xf32, #tpu.memory_space<vmem_shared>> -> memref<10112x128xf32, #tpu.memory_space<vmem_shared>>
          tpu.enqueue_indirect_dma source(%arg9 : memref<128x128xf32, #tpu.memory_space<vmem>>) target(%dma_start3A_72 : memref<10112x128xf32, #tpu.memory_space<vmem_shared>>) offsets(%dma_start3A_69 : memref<128xi32, #tpu.memory_space<vmem>>) semaphore(%run_scoped3A : memref<!tpu.dma_semaphore, #tpu.memory_space<semaphore_mem>>) {add = true}
          %dma_wait3A_73 = arith.constant 0 : i32
          %dma_wait3A_74 = tpu.memref_slice %arg8[%add3A_42, %dma_wait3A_73] : memref<40x128xi32, #tpu.memory_space<vmem>> -> memref<1x128xi32, #tpu.memory_space<vmem>>
          %dma_wait3A_75 = tpu.memref_squeeze %dma_wait3A_74 : memref<1x128xi32, #tpu.memory_space<vmem>> -> memref<128xi32, #tpu.memory_space<vmem>>
          %dma_wait3A_76 = arith.constant 0 : i32
          %dma_wait3A_77 = arith.constant 0 : i32
          %dma_wait3A_78 = tpu.memref_slice %arg11[%dma_wait3A_76, %dma_wait3A_77] : memref<10112x128xf32, #tpu.memory_space<vmem_shared>> -> memref<10112x128xf32, #tpu.memory_space<vmem_shared>>
          tpu.wait_indirect_dma semaphore(%run_scoped3A : memref<!tpu.dma_semaphore, #tpu.memory_space<semaphore_mem>>) src(%arg9 : memref<128x128xf32, #tpu.memory_space<vmem>>) dst(%dma_wait3A_78 : memref<10112x128xf32, #tpu.memory_space<vmem_shared>>)
          tpu.yield
        }) : () -> ()
        %add3A_48 = arith.constant 2 : i32
        %add3A_49 = arith.addi %add3A_42, %add3A_48 : i32
        %lt3A = arith.constant 40 : i32
        %lt3A_50 = arith.cmpi slt, %add3A_49, %lt3A : i32
        %convert_element_type3A = arith.extui %lt3A_50 : i1 to i32
        %cond3A = arith.constant 0 : i32
        %cond3A_51 = arith.cmpi ne, %convert_element_type3A, %cond3A : i32
        scf.if %cond3A_51 {
          %dma_start3A_67 = arith.constant 0 : i32
          %dma_start3A_68 = tpu.memref_slice %arg7[%add3A_49, %dma_start3A_67] : memref<40x128xi32, #tpu.memory_space<vmem>> -> memref<1x128xi32, #tpu.memory_space<vmem>>
          %dma_start3A_69 = tpu.memref_squeeze %dma_start3A_68 : memref<1x128xi32, #tpu.memory_space<vmem>> -> memref<128xi32, #tpu.memory_space<vmem>>
          %dma_start3A_70 = arith.constant 0 : i32
          %dma_start3A_71 = arith.constant 0 : i32
          %dma_start3A_72 = tpu.memref_slice %arg2[%dma_start3A_70, %dma_start3A_71] : memref<10000x128xf32, #tpu.memory_space<hbm>> -> memref<10000x128xf32, #tpu.memory_space<hbm>>
          tpu.enqueue_indirect_dma source(%dma_start3A_72 : memref<10000x128xf32, #tpu.memory_space<hbm>>) target(%arg9 : memref<128x128xf32, #tpu.memory_space<vmem>>) offsets(%dma_start3A_69 : memref<128xi32, #tpu.memory_space<vmem>>) semaphore(%arg12 : memref<!tpu.dma_semaphore, #tpu.memory_space<semaphore_mem>>)
        } else {
        }
        %add3A_52 = arith.constant 1 : i32
        %add3A_53 = arith.addi %mul3A_40, %add3A_52 : i32
        %dma_wait3A_54 = arith.constant 0 : i32
        %dma_wait3A_55 = tpu.memref_slice %arg7[%add3A_53, %dma_wait3A_54] : memref<40x128xi32, #tpu.memory_space<vmem>> -> memref<1x128xi32, #tpu.memory_space<vmem>>
        %dma_wait3A_56 = tpu.memref_squeeze %dma_wait3A_55 : memref<1x128xi32, #tpu.memory_space<vmem>> -> memref<128xi32, #tpu.memory_space<vmem>>
        %dma_wait3A_57 = arith.constant 0 : i32
        %dma_wait3A_58 = arith.constant 0 : i32
        %dma_wait3A_59 = tpu.memref_slice %arg2[%dma_wait3A_57, %dma_wait3A_58] : memref<10000x128xf32, #tpu.memory_space<hbm>> -> memref<10000x128xf32, #tpu.memory_space<hbm>>
        tpu.wait_indirect_dma semaphore(%arg13 : memref<!tpu.dma_semaphore, #tpu.memory_space<semaphore_mem>>) src(%dma_wait3A_59 : memref<10000x128xf32, #tpu.memory_space<hbm>>) dst(%arg10 : memref<128x128xf32, #tpu.memory_space<vmem>>)
        "tpu.region"() ({
          %run_scoped3A = tpu.sem_alloc : memref<!tpu.dma_semaphore, #tpu.memory_space<semaphore_mem>>
          %dma_start3A_67 = arith.constant 0 : i32
          %dma_start3A_68 = tpu.memref_slice %arg8[%add3A_53, %dma_start3A_67] : memref<40x128xi32, #tpu.memory_space<vmem>> -> memref<1x128xi32, #tpu.memory_space<vmem>>
          %dma_start3A_69 = tpu.memref_squeeze %dma_start3A_68 : memref<1x128xi32, #tpu.memory_space<vmem>> -> memref<128xi32, #tpu.memory_space<vmem>>
          %dma_start3A_70 = arith.constant 0 : i32
          %dma_start3A_71 = arith.constant 0 : i32
          %dma_start3A_72 = tpu.memref_slice %arg11[%dma_start3A_70, %dma_start3A_71] : memref<10112x128xf32, #tpu.memory_space<vmem_shared>> -> memref<10112x128xf32, #tpu.memory_space<vmem_shared>>
          tpu.enqueue_indirect_dma source(%arg10 : memref<128x128xf32, #tpu.memory_space<vmem>>) target(%dma_start3A_72 : memref<10112x128xf32, #tpu.memory_space<vmem_shared>>) offsets(%dma_start3A_69 : memref<128xi32, #tpu.memory_space<vmem>>) semaphore(%run_scoped3A : memref<!tpu.dma_semaphore, #tpu.memory_space<semaphore_mem>>) {add = true}
          %dma_wait3A_73 = arith.constant 0 : i32
          %dma_wait3A_74 = tpu.memref_slice %arg8[%add3A_53, %dma_wait3A_73] : memref<40x128xi32, #tpu.memory_space<vmem>> -> memref<1x128xi32, #tpu.memory_space<vmem>>
          %dma_wait3A_75 = tpu.memref_squeeze %dma_wait3A_74 : memref<1x128xi32, #tpu.memory_space<vmem>> -> memref<128xi32, #tpu.memory_space<vmem>>
          %dma_wait3A_76 = arith.constant 0 : i32
          %dma_wait3A_77 = arith.constant 0 : i32
          %dma_wait3A_78 = tpu.memref_slice %arg11[%dma_wait3A_76, %dma_wait3A_77] : memref<10112x128xf32, #tpu.memory_space<vmem_shared>> -> memref<10112x128xf32, #tpu.memory_space<vmem_shared>>
          tpu.wait_indirect_dma semaphore(%run_scoped3A : memref<!tpu.dma_semaphore, #tpu.memory_space<semaphore_mem>>) src(%arg10 : memref<128x128xf32, #tpu.memory_space<vmem>>) dst(%dma_wait3A_78 : memref<10112x128xf32, #tpu.memory_space<vmem_shared>>)
          tpu.yield
        }) : () -> ()
        %add3A_60 = arith.constant 2 : i32
        %add3A_61 = arith.addi %add3A_53, %add3A_60 : i32
        %lt3A_62 = arith.constant 40 : i32
        %lt3A_63 = arith.cmpi slt, %add3A_61, %lt3A_62 : i32
        %convert_element_type3A_64 = arith.extui %lt3A_63 : i1 to i32
        %cond3A_65 = arith.constant 0 : i32
        %cond3A_66 = arith.cmpi ne, %convert_element_type3A_64, %cond3A_65 : i32
        scf.if %cond3A_66 {
          %dma_start3A_67 = arith.constant 0 : i32
          %dma_start3A_68 = tpu.memref_slice %arg7[%add3A_61, %dma_start3A_67] : memref<40x128xi32, #tpu.memory_space<vmem>> -> memref<1x128xi32, #tpu.memory_space<vmem>>
          %dma_start3A_69 = tpu.memref_squeeze %dma_start3A_68 : memref<1x128xi32, #tpu.memory_space<vmem>> -> memref<128xi32, #tpu.memory_space<vmem>>
          %dma_start3A_70 = arith.constant 0 : i32
          %dma_start3A_71 = arith.constant 0 : i32
          %dma_start3A_72 = tpu.memref_slice %arg2[%dma_start3A_70, %dma_start3A_71] : memref<10000x128xf32, #tpu.memory_space<hbm>> -> memref<10000x128xf32, #tpu.memory_space<hbm>>
          tpu.enqueue_indirect_dma source(%dma_start3A_72 : memref<10000x128xf32, #tpu.memory_space<hbm>>) target(%arg10 : memref<128x128xf32, #tpu.memory_space<vmem>>) offsets(%dma_start3A_69 : memref<128xi32, #tpu.memory_space<vmem>>) semaphore(%arg13 : memref<!tpu.dma_semaphore, #tpu.memory_space<semaphore_mem>>)
        } else {
        }
      }
      %scan3A_37 = arith.constant 20 : i32
    }
    %scan3A_9 = arith.constant 2 : i32
    %barrier3A_10 = arith.constant 0 : index
    tpu.barrier barrier_id(%barrier3A_10)
    %mul3A_11 = arith.constant 632 : i32
    %mul3A_12 = arith.muli %arg1, %mul3A_11 : i32
    %mul3A_13 = arith.constant 632 : i32
    %mul3A_14 = arith.muli %arg1, %mul3A_13 : i32
    "tpu.region"() ({
      %run_scoped3A = tpu.sem_alloc : memref<!tpu.dma_semaphore, #tpu.memory_space<semaphore_mem>>
      %dma_start3A = arith.constant 0 : i32
      %dma_start3A_15 = tpu.memref_slice %arg6[%arg0, %mul3A_14, %dma_start3A] : memref<2x10112x128xf32, #tpu.memory_space<hbm>> -> memref<1x632x128xf32, #tpu.memory_space<hbm>>
      %dma_start3A_16 = tpu.memref_squeeze %dma_start3A_15 : memref<1x632x128xf32, #tpu.memory_space<hbm>> -> memref<632x128xf32, #tpu.memory_space<hbm>>
      %dma_start3A_17 = arith.constant 0 : i32
      %dma_start3A_18 = tpu.memref_slice %arg11[%mul3A_12, %dma_start3A_17] : memref<10112x128xf32, #tpu.memory_space<vmem_shared>> -> memref<632x128xf32, #tpu.memory_space<vmem_shared>>
      tpu.enqueue_dma source(%dma_start3A_18 : memref<632x128xf32, #tpu.memory_space<vmem_shared>>) target(%dma_start3A_16 : memref<632x128xf32, #tpu.memory_space<hbm>>) target_semaphore(%run_scoped3A : memref<!tpu.dma_semaphore, #tpu.memory_space<semaphore_mem>>)
      %dma_wait3A = arith.constant 0 : i32
      %dma_wait3A_19 = tpu.memref_slice %arg6[%arg0, %mul3A_14, %dma_wait3A] : memref<2x10112x128xf32, #tpu.memory_space<hbm>> -> memref<1x632x128xf32, #tpu.memory_space<hbm>>
      %dma_wait3A_20 = tpu.memref_squeeze %dma_wait3A_19 : memref<1x632x128xf32, #tpu.memory_space<hbm>> -> memref<632x128xf32, #tpu.memory_space<hbm>>
      %dma_wait3A_21 = arith.constant 0 : i32
      %dma_wait3A_22 = tpu.memref_slice %arg11[%mul3A_12, %dma_wait3A_21] : memref<10112x128xf32, #tpu.memory_space<vmem_shared>> -> memref<632x128xf32, #tpu.memory_space<vmem_shared>>
      tpu.wait_dma2 semaphore(%run_scoped3A : memref<!tpu.dma_semaphore, #tpu.memory_space<semaphore_mem>>) src(%dma_wait3A_22 : memref<632x128xf32, #tpu.memory_space<vmem_shared>>) dst(%dma_wait3A_20 : memref<632x128xf32, #tpu.memory_space<hbm>>)
      tpu.yield
    }) : () -> ()
    return
  }
}

#map = affine_map<(d0, d1) -> (0, 0)>
#map1 = affine_map<(d0, d1) -> (0, 0, 0)>
module attributes {stable_mosaic.version = 14 : i64} {
  func.func @agg(%arg0: i32, %arg1: i32, %arg2: memref<10000x128xf32, #tpu.memory_space<hbm>>, %arg3: memref<32x80x128xi32, #tpu.memory_space<hbm>>, %arg4: memref<32x80x128xi32, #tpu.memory_space<hbm>>, %arg5: memref<10112x128xf32, #tpu.memory_space<hbm>>, %arg6: memref<2x10112x128xf32, #tpu.memory_space<hbm>>, %arg7: memref<40x128xi32, #tpu.memory_space<vmem>>, %arg8: memref<40x128xi32, #tpu.memory_space<vmem>>, %arg9: memref<128x128xf32, #tpu.memory_space<vmem>>, %arg10: memref<128x128xf32, #tpu.memory_space<vmem>>, %arg11: memref<10112x128xf32, #tpu.memory_space<vmem_shared>>, %arg12: memref<!tpu.dma_semaphore, #tpu.memory_space<semaphore_mem>>, %arg13: memref<!tpu.dma_semaphore, #tpu.memory_space<semaphore_mem>>) attributes {dimension_semantics = [#tpu.dimension_semantics<core_parallel>, #tpu.dimension_semantics<subcore_parallel>], iteration_bounds = array<i64: 2, 16>, scalar_prefetch = 0 : i64, scratch_operands = 7 : i64, tpu.core_type = #tpu.core_type<sc_vector_subcore>, window_params = [{transform_indices = #map}, {transform_indices = #map1}, {transform_indices = #map1}, {transform_indices = #map}, {transform_indices = #map1}]} {
    %mul3A = arith.constant 16 : i32
    %mul3A_0 = arith.muli %arg0, %mul3A : i32
    %add3A = arith.addi %mul3A_0, %arg1 : i32
    %mul3A_1 = arith.constant 632 : i32
    %mul3A_2 = arith.muli %arg1, %mul3A_1 : i32
    %mul3A_3 = arith.constant 632 : i32
    %mul3A_4 = arith.muli %arg1, %mul3A_3 : i32
    "tpu.region"() ({
      %run_scoped3A = tpu.sem_alloc : memref<!tpu.dma_semaphore, #tpu.memory_space<semaphore_mem>>
      %dma_start3A = arith.constant 0 : i32
      %dma_start3A_15 = tpu.memref_slice %arg11[%mul3A_4, %dma_start3A] : memref<10112x128xf32, #tpu.memory_space<vmem_shared>> -> memref<632x128xf32, #tpu.memory_space<vmem_shared>>
      %dma_start3A_16 = arith.constant 0 : i32
      %dma_start3A_17 = tpu.memref_slice %arg5[%mul3A_2, %dma_start3A_16] : memref<10112x128xf32, #tpu.memory_space<hbm>> -> memref<632x128xf32, #tpu.memory_space<hbm>>
      tpu.enqueue_dma source(%dma_start3A_17 : memref<632x128xf32, #tpu.memory_space<hbm>>) target(%dma_start3A_15 : memref<632x128xf32, #tpu.memory_space<vmem_shared>>) target_semaphore(%run_scoped3A : memref<!tpu.dma_semaphore, #tpu.memory_space<semaphore_mem>>)
      %dma_wait3A = arith.constant 0 : i32
      %dma_wait3A_18 = tpu.memref_slice %arg11[%mul3A_4, %dma_wait3A] : memref<10112x128xf32, #tpu.memory_space<vmem_shared>> -> memref<632x128xf32, #tpu.memory_space<vmem_shared>>
      %dma_wait3A_19 = arith.constant 0 : i32
      %dma_wait3A_20 = tpu.memref_slice %arg5[%mul3A_2, %dma_wait3A_19] : memref<10112x128xf32, #tpu.memory_space<hbm>> -> memref<632x128xf32, #tpu.memory_space<hbm>>
      tpu.wait_dma2 semaphore(%run_scoped3A : memref<!tpu.dma_semaphore, #tpu.memory_space<semaphore_mem>>) src(%dma_wait3A_20 : memref<632x128xf32, #tpu.memory_space<hbm>>) dst(%dma_wait3A_18 : memref<632x128xf32, #tpu.memory_space<vmem_shared>>)
      tpu.yield
    }) : () -> ()
    %barrier3A = arith.constant 0 : index
    tpu.barrier barrier_id(%barrier3A)
    %scan3A = arith.constant 0 : i32
    %scan3A_5 = arith.constant 0 : i32
    %scan3A_6 = arith.constant 2 : i32
    %scan3A_7 = arith.addi %scan3A_5, %scan3A_6 : i32
    %scan3A_8 = arith.constant 1 : i32
    scf.for %scan3A_15 = %scan3A_5 to %scan3A_7 step %scan3A_8  : i32 {
      %mul3A_16 = arith.constant 40 : i32
      %mul3A_17 = arith.muli %scan3A_15, %mul3A_16 : i32
      "tpu.region"() ({
        %run_scoped3A = tpu.sem_alloc : memref<!tpu.dma_semaphore, #tpu.memory_space<semaphore_mem>>
        %dma_start3A_38 = arith.constant 0 : i32
        %dma_start3A_39 = tpu.memref_slice %arg3[%add3A, %mul3A_17, %dma_start3A_38] : memref<32x80x128xi32, #tpu.memory_space<hbm>> -> memref<1x40x128xi32, #tpu.memory_space<hbm>>
        %dma_start3A_40 = tpu.memref_squeeze %dma_start3A_39 : memref<1x40x128xi32, #tpu.memory_space<hbm>> -> memref<40x128xi32, #tpu.memory_space<hbm>>
        %dma_start3A_41 = arith.constant 0 : i32
        %dma_start3A_42 = tpu.memref_slice %arg3[%add3A, %mul3A_17, %dma_start3A_41] : memref<32x80x128xi32, #tpu.memory_space<hbm>> -> memref<1x40x128xi32, #tpu.memory_space<hbm>>
        %dma_start3A_43 = tpu.memref_squeeze %dma_start3A_42 : memref<1x40x128xi32, #tpu.memory_space<hbm>> -> memref<40x128xi32, #tpu.memory_space<hbm>>
        tpu.enqueue_dma source(%dma_start3A_43 : memref<40x128xi32, #tpu.memory_space<hbm>>) target(%arg7 : memref<40x128xi32, #tpu.memory_space<vmem>>) target_semaphore(%run_scoped3A : memref<!tpu.dma_semaphore, #tpu.memory_space<semaphore_mem>>)
        %dma_wait3A = arith.constant 0 : i32
        %dma_wait3A_44 = tpu.memref_slice %arg3[%add3A, %mul3A_17, %dma_wait3A] : memref<32x80x128xi32, #tpu.memory_space<hbm>> -> memref<1x40x128xi32, #tpu.memory_space<hbm>>
        %dma_wait3A_45 = tpu.memref_squeeze %dma_wait3A_44 : memref<1x40x128xi32, #tpu.memory_space<hbm>> -> memref<40x128xi32, #tpu.memory_space<hbm>>
        %dma_wait3A_46 = arith.constant 0 : i32
        %dma_wait3A_47 = tpu.memref_slice %arg3[%add3A, %mul3A_17, %dma_wait3A_46] : memref<32x80x128xi32, #tpu.memory_space<hbm>> -> memref<1x40x128xi32, #tpu.memory_space<hbm>>
        %dma_wait3A_48 = tpu.memref_squeeze %dma_wait3A_47 : memref<1x40x128xi32, #tpu.memory_space<hbm>> -> memref<40x128xi32, #tpu.memory_space<hbm>>
        tpu.wait_dma2 semaphore(%run_scoped3A : memref<!tpu.dma_semaphore, #tpu.memory_space<semaphore_mem>>) src(%dma_wait3A_48 : memref<40x128xi32, #tpu.memory_space<hbm>>) dst(%arg7 : memref<40x128xi32, #tpu.memory_space<vmem>>)
        tpu.yield
      }) : () -> ()
      %mul3A_18 = arith.constant 40 : i32
      %mul3A_19 = arith.muli %scan3A_15, %mul3A_18 : i32
      "tpu.region"() ({
        %run_scoped3A = tpu.sem_alloc : memref<!tpu.dma_semaphore, #tpu.memory_space<semaphore_mem>>
        %dma_start3A_38 = arith.constant 0 : i32
        %dma_start3A_39 = tpu.memref_slice %arg4[%add3A, %mul3A_19, %dma_start3A_38] : memref<32x80x128xi32, #tpu.memory_space<hbm>> -> memref<1x40x128xi32, #tpu.memory_space<hbm>>
        %dma_start3A_40 = tpu.memref_squeeze %dma_start3A_39 : memref<1x40x128xi32, #tpu.memory_space<hbm>> -> memref<40x128xi32, #tpu.memory_space<hbm>>
        %dma_start3A_41 = arith.constant 0 : i32
        %dma_start3A_42 = tpu.memref_slice %arg4[%add3A, %mul3A_19, %dma_start3A_41] : memref<32x80x128xi32, #tpu.memory_space<hbm>> -> memref<1x40x128xi32, #tpu.memory_space<hbm>>
        %dma_start3A_43 = tpu.memref_squeeze %dma_start3A_42 : memref<1x40x128xi32, #tpu.memory_space<hbm>> -> memref<40x128xi32, #tpu.memory_space<hbm>>
        tpu.enqueue_dma source(%dma_start3A_43 : memref<40x128xi32, #tpu.memory_space<hbm>>) target(%arg8 : memref<40x128xi32, #tpu.memory_space<vmem>>) target_semaphore(%run_scoped3A : memref<!tpu.dma_semaphore, #tpu.memory_space<semaphore_mem>>)
        %dma_wait3A = arith.constant 0 : i32
        %dma_wait3A_44 = tpu.memref_slice %arg4[%add3A, %mul3A_19, %dma_wait3A] : memref<32x80x128xi32, #tpu.memory_space<hbm>> -> memref<1x40x128xi32, #tpu.memory_space<hbm>>
        %dma_wait3A_45 = tpu.memref_squeeze %dma_wait3A_44 : memref<1x40x128xi32, #tpu.memory_space<hbm>> -> memref<40x128xi32, #tpu.memory_space<hbm>>
        %dma_wait3A_46 = arith.constant 0 : i32
        %dma_wait3A_47 = tpu.memref_slice %arg4[%add3A, %mul3A_19, %dma_wait3A_46] : memref<32x80x128xi32, #tpu.memory_space<hbm>> -> memref<1x40x128xi32, #tpu.memory_space<hbm>>
        %dma_wait3A_48 = tpu.memref_squeeze %dma_wait3A_47 : memref<1x40x128xi32, #tpu.memory_space<hbm>> -> memref<40x128xi32, #tpu.memory_space<hbm>>
        tpu.wait_dma2 semaphore(%run_scoped3A : memref<!tpu.dma_semaphore, #tpu.memory_space<semaphore_mem>>) src(%dma_wait3A_48 : memref<40x128xi32, #tpu.memory_space<hbm>>) dst(%arg8 : memref<40x128xi32, #tpu.memory_space<vmem>>)
        tpu.yield
      }) : () -> ()
      %dma_start3A = arith.constant 0 : i32
      %dma_start3A_20 = arith.constant 0 : i32
      %dma_start3A_21 = tpu.memref_slice %arg7[%dma_start3A, %dma_start3A_20] : memref<40x128xi32, #tpu.memory_space<vmem>> -> memref<1x128xi32, #tpu.memory_space<vmem>>
      %dma_start3A_22 = tpu.memref_squeeze %dma_start3A_21 : memref<1x128xi32, #tpu.memory_space<vmem>> -> memref<128xi32, #tpu.memory_space<vmem>>
      %dma_start3A_23 = arith.constant 0 : i32
      %dma_start3A_24 = arith.constant 0 : i32
      %dma_start3A_25 = tpu.memref_slice %arg2[%dma_start3A_23, %dma_start3A_24] : memref<10000x128xf32, #tpu.memory_space<hbm>> -> memref<10000x128xf32, #tpu.memory_space<hbm>>
      tpu.enqueue_indirect_dma source(%dma_start3A_25 : memref<10000x128xf32, #tpu.memory_space<hbm>>) target(%arg9 : memref<128x128xf32, #tpu.memory_space<vmem>>) offsets(%dma_start3A_22 : memref<128xi32, #tpu.memory_space<vmem>>) semaphore(%arg12 : memref<!tpu.dma_semaphore, #tpu.memory_space<semaphore_mem>>)
      %dma_start3A_26 = arith.constant 1 : i32
      %dma_start3A_27 = arith.constant 0 : i32
      %dma_start3A_28 = tpu.memref_slice %arg7[%dma_start3A_26, %dma_start3A_27] : memref<40x128xi32, #tpu.memory_space<vmem>> -> memref<1x128xi32, #tpu.memory_space<vmem>>
      %dma_start3A_29 = tpu.memref_squeeze %dma_start3A_28 : memref<1x128xi32, #tpu.memory_space<vmem>> -> memref<128xi32, #tpu.memory_space<vmem>>
      %dma_start3A_30 = arith.constant 0 : i32
      %dma_start3A_31 = arith.constant 0 : i32
      %dma_start3A_32 = tpu.memref_slice %arg2[%dma_start3A_30, %dma_start3A_31] : memref<10000x128xf32, #tpu.memory_space<hbm>> -> memref<10000x128xf32, #tpu.memory_space<hbm>>
      tpu.enqueue_indirect_dma source(%dma_start3A_32 : memref<10000x128xf32, #tpu.memory_space<hbm>>) target(%arg10 : memref<128x128xf32, #tpu.memory_space<vmem>>) offsets(%dma_start3A_29 : memref<128xi32, #tpu.memory_space<vmem>>) semaphore(%arg13 : memref<!tpu.dma_semaphore, #tpu.memory_space<semaphore_mem>>)
      %scan3A_33 = arith.constant 0 : i32
      %scan3A_34 = arith.constant 20 : i32
      %scan3A_35 = arith.addi %scan3A_33, %scan3A_34 : i32
      %scan3A_36 = arith.constant 1 : i32
      scf.for %scan3A_38 = %scan3A_33 to %scan3A_35 step %scan3A_36  : i32 {
        %mul3A_39 = arith.constant 2 : i32
        %mul3A_40 = arith.muli %scan3A_38, %mul3A_39 : i32
        %add3A_41 = arith.constant 0 : i32
        %add3A_42 = arith.addi %mul3A_40, %add3A_41 : i32
        %dma_wait3A = arith.constant 0 : i32
        %dma_wait3A_43 = tpu.memref_slice %arg7[%add3A_42, %dma_wait3A] : memref<40x128xi32, #tpu.memory_space<vmem>> -> memref<1x128xi32, #tpu.memory_space<vmem>>
        %dma_wait3A_44 = tpu.memref_squeeze %dma_wait3A_43 : memref<1x128xi32, #tpu.memory_space<vmem>> -> memref<128xi32, #tpu.memory_space<vmem>>
        %dma_wait3A_45 = arith.constant 0 : i32
        %dma_wait3A_46 = arith.constant 0 : i32
        %dma_wait3A_47 = tpu.memref_slice %arg2[%dma_wait3A_45, %dma_wait3A_46] : memref<10000x128xf32, #tpu.memory_space<hbm>> -> memref<10000x128xf32, #tpu.memory_space<hbm>>
        tpu.wait_indirect_dma semaphore(%arg12 : memref<!tpu.dma_semaphore, #tpu.memory_space<semaphore_mem>>) src(%dma_wait3A_47 : memref<10000x128xf32, #tpu.memory_space<hbm>>) dst(%arg9 : memref<128x128xf32, #tpu.memory_space<vmem>>)
        "tpu.region"() ({
          %run_scoped3A = tpu.sem_alloc : memref<!tpu.dma_semaphore, #tpu.memory_space<semaphore_mem>>
          %dma_start3A_67 = arith.constant 0 : i32
          %dma_start3A_68 = tpu.memref_slice %arg8[%add3A_42, %dma_start3A_67] : memref<40x128xi32, #tpu.memory_space<vmem>> -> memref<1x128xi32, #tpu.memory_space<vmem>>
          %dma_start3A_69 = tpu.memref_squeeze %dma_start3A_68 : memref<1x128xi32, #tpu.memory_space<vmem>> -> memref<128xi32, #tpu.memory_space<vmem>>
          %dma_start3A_70 = arith.constant 0 : i32
          %dma_start3A_71 = arith.constant 0 : i32
          %dma_start3A_72 = tpu.memref_slice %arg11[%dma_start3A_70, %dma_start3A_71] : memref<10112x128xf32, #tpu.memory_space<vmem_shared>> -> memref<10112x128xf32, #tpu.memory_space<vmem_shared>>
          tpu.enqueue_indirect_dma source(%arg9 : memref<128x128xf32, #tpu.memory_space<vmem>>) target(%dma_start3A_72 : memref<10112x128xf32, #tpu.memory_space<vmem_shared>>) offsets(%dma_start3A_69 : memref<128xi32, #tpu.memory_space<vmem>>) semaphore(%run_scoped3A : memref<!tpu.dma_semaphore, #tpu.memory_space<semaphore_mem>>) {add = true}
          %dma_wait3A_73 = arith.constant 0 : i32
          %dma_wait3A_74 = tpu.memref_slice %arg8[%add3A_42, %dma_wait3A_73] : memref<40x128xi32, #tpu.memory_space<vmem>> -> memref<1x128xi32, #tpu.memory_space<vmem>>
          %dma_wait3A_75 = tpu.memref_squeeze %dma_wait3A_74 : memref<1x128xi32, #tpu.memory_space<vmem>> -> memref<128xi32, #tpu.memory_space<vmem>>
          %dma_wait3A_76 = arith.constant 0 : i32
          %dma_wait3A_77 = arith.constant 0 : i32
          %dma_wait3A_78 = tpu.memref_slice %arg11[%dma_wait3A_76, %dma_wait3A_77] : memref<10112x128xf32, #tpu.memory_space<vmem_shared>> -> memref<10112x128xf32, #tpu.memory_space<vmem_shared>>
          tpu.wait_indirect_dma semaphore(%run_scoped3A : memref<!tpu.dma_semaphore, #tpu.memory_space<semaphore_mem>>) src(%arg9 : memref<128x128xf32, #tpu.memory_space<vmem>>) dst(%dma_wait3A_78 : memref<10112x128xf32, #tpu.memory_space<vmem_shared>>)
          tpu.yield
        }) : () -> ()
        %add3A_48 = arith.constant 2 : i32
        %add3A_49 = arith.addi %add3A_42, %add3A_48 : i32
        %lt3A = arith.constant 40 : i32
        %lt3A_50 = arith.cmpi slt, %add3A_49, %lt3A : i32
        %convert_element_type3A = arith.extui %lt3A_50 : i1 to i32
        %cond3A = arith.constant 0 : i32
        %cond3A_51 = arith.cmpi ne, %convert_element_type3A, %cond3A : i32
        scf.if %cond3A_51 {
          %dma_start3A_67 = arith.constant 0 : i32
          %dma_start3A_68 = tpu.memref_slice %arg7[%add3A_49, %dma_start3A_67] : memref<40x128xi32, #tpu.memory_space<vmem>> -> memref<1x128xi32, #tpu.memory_space<vmem>>
          %dma_start3A_69 = tpu.memref_squeeze %dma_start3A_68 : memref<1x128xi32, #tpu.memory_space<vmem>> -> memref<128xi32, #tpu.memory_space<vmem>>
          %dma_start3A_70 = arith.constant 0 : i32
          %dma_start3A_71 = arith.constant 0 : i32
          %dma_start3A_72 = tpu.memref_slice %arg2[%dma_start3A_70, %dma_start3A_71] : memref<10000x128xf32, #tpu.memory_space<hbm>> -> memref<10000x128xf32, #tpu.memory_space<hbm>>
          tpu.enqueue_indirect_dma source(%dma_start3A_72 : memref<10000x128xf32, #tpu.memory_space<hbm>>) target(%arg9 : memref<128x128xf32, #tpu.memory_space<vmem>>) offsets(%dma_start3A_69 : memref<128xi32, #tpu.memory_space<vmem>>) semaphore(%arg12 : memref<!tpu.dma_semaphore, #tpu.memory_space<semaphore_mem>>)
        } else {
        }
        %add3A_52 = arith.constant 1 : i32
        %add3A_53 = arith.addi %mul3A_40, %add3A_52 : i32
        %dma_wait3A_54 = arith.constant 0 : i32
        %dma_wait3A_55 = tpu.memref_slice %arg7[%add3A_53, %dma_wait3A_54] : memref<40x128xi32, #tpu.memory_space<vmem>> -> memref<1x128xi32, #tpu.memory_space<vmem>>
        %dma_wait3A_56 = tpu.memref_squeeze %dma_wait3A_55 : memref<1x128xi32, #tpu.memory_space<vmem>> -> memref<128xi32, #tpu.memory_space<vmem>>
        %dma_wait3A_57 = arith.constant 0 : i32
        %dma_wait3A_58 = arith.constant 0 : i32
        %dma_wait3A_59 = tpu.memref_slice %arg2[%dma_wait3A_57, %dma_wait3A_58] : memref<10000x128xf32, #tpu.memory_space<hbm>> -> memref<10000x128xf32, #tpu.memory_space<hbm>>
        tpu.wait_indirect_dma semaphore(%arg13 : memref<!tpu.dma_semaphore, #tpu.memory_space<semaphore_mem>>) src(%dma_wait3A_59 : memref<10000x128xf32, #tpu.memory_space<hbm>>) dst(%arg10 : memref<128x128xf32, #tpu.memory_space<vmem>>)
        "tpu.region"() ({
          %run_scoped3A = tpu.sem_alloc : memref<!tpu.dma_semaphore, #tpu.memory_space<semaphore_mem>>
          %dma_start3A_67 = arith.constant 0 : i32
          %dma_start3A_68 = tpu.memref_slice %arg8[%add3A_53, %dma_start3A_67] : memref<40x128xi32, #tpu.memory_space<vmem>> -> memref<1x128xi32, #tpu.memory_space<vmem>>
          %dma_start3A_69 = tpu.memref_squeeze %dma_start3A_68 : memref<1x128xi32, #tpu.memory_space<vmem>> -> memref<128xi32, #tpu.memory_space<vmem>>
          %dma_start3A_70 = arith.constant 0 : i32
          %dma_start3A_71 = arith.constant 0 : i32
          %dma_start3A_72 = tpu.memref_slice %arg11[%dma_start3A_70, %dma_start3A_71] : memref<10112x128xf32, #tpu.memory_space<vmem_shared>> -> memref<10112x128xf32, #tpu.memory_space<vmem_shared>>
          tpu.enqueue_indirect_dma source(%arg10 : memref<128x128xf32, #tpu.memory_space<vmem>>) target(%dma_start3A_72 : memref<10112x128xf32, #tpu.memory_space<vmem_shared>>) offsets(%dma_start3A_69 : memref<128xi32, #tpu.memory_space<vmem>>) semaphore(%run_scoped3A : memref<!tpu.dma_semaphore, #tpu.memory_space<semaphore_mem>>) {add = true}
          %dma_wait3A_73 = arith.constant 0 : i32
          %dma_wait3A_74 = tpu.memref_slice %arg8[%add3A_53, %dma_wait3A_73] : memref<40x128xi32, #tpu.memory_space<vmem>> -> memref<1x128xi32, #tpu.memory_space<vmem>>
          %dma_wait3A_75 = tpu.memref_squeeze %dma_wait3A_74 : memref<1x128xi32, #tpu.memory_space<vmem>> -> memref<128xi32, #tpu.memory_space<vmem>>
          %dma_wait3A_76 = arith.constant 0 : i32
          %dma_wait3A_77 = arith.constant 0 : i32
          %dma_wait3A_78 = tpu.memref_slice %arg11[%dma_wait3A_76, %dma_wait3A_77] : memref<10112x128xf32, #tpu.memory_space<vmem_shared>> -> memref<10112x128xf32, #tpu.memory_space<vmem_shared>>
          tpu.wait_indirect_dma semaphore(%run_scoped3A : memref<!tpu.dma_semaphore, #tpu.memory_space<semaphore_mem>>) src(%arg10 : memref<128x128xf32, #tpu.memory_space<vmem>>) dst(%dma_wait3A_78 : memref<10112x128xf32, #tpu.memory_space<vmem_shared>>)
          tpu.yield
        }) : () -> ()
        %add3A_60 = arith.constant 2 : i32
        %add3A_61 = arith.addi %add3A_53, %add3A_60 : i32
        %lt3A_62 = arith.constant 40 : i32
        %lt3A_63 = arith.cmpi slt, %add3A_61, %lt3A_62 : i32
        %convert_element_type3A_64 = arith.extui %lt3A_63 : i1 to i32
        %cond3A_65 = arith.constant 0 : i32
        %cond3A_66 = arith.cmpi ne, %convert_element_type3A_64, %cond3A_65 : i32
        scf.if %cond3A_66 {
          %dma_start3A_67 = arith.constant 0 : i32
          %dma_start3A_68 = tpu.memref_slice %arg7[%add3A_61, %dma_start3A_67] : memref<40x128xi32, #tpu.memory_space<vmem>> -> memref<1x128xi32, #tpu.memory_space<vmem>>
          %dma_start3A_69 = tpu.memref_squeeze %dma_start3A_68 : memref<1x128xi32, #tpu.memory_space<vmem>> -> memref<128xi32, #tpu.memory_space<vmem>>
          %dma_start3A_70 = arith.constant 0 : i32
          %dma_start3A_71 = arith.constant 0 : i32
          %dma_start3A_72 = tpu.memref_slice %arg2[%dma_start3A_70, %dma_start3A_71] : memref<10000x128xf32, #tpu.memory_space<hbm>> -> memref<10000x128xf32, #tpu.memory_space<hbm>>
          tpu.enqueue_indirect_dma source(%dma_start3A_72 : memref<10000x128xf32, #tpu.memory_space<hbm>>) target(%arg10 : memref<128x128xf32, #tpu.memory_space<vmem>>) offsets(%dma_start3A_69 : memref<128xi32, #tpu.memory_space<vmem>>) semaphore(%arg13 : memref<!tpu.dma_semaphore, #tpu.memory_space<semaphore_mem>>)
        } else {
        }
      }
      %scan3A_37 = arith.constant 20 : i32
    }
    %scan3A_9 = arith.constant 2 : i32
    %barrier3A_10 = arith.constant 0 : index
    tpu.barrier barrier_id(%barrier3A_10)
    %mul3A_11 = arith.constant 632 : i32
    %mul3A_12 = arith.muli %arg1, %mul3A_11 : i32
    %mul3A_13 = arith.constant 632 : i32
    %mul3A_14 = arith.muli %arg1, %mul3A_13 : i32
    "tpu.region"() ({
      %run_scoped3A = tpu.sem_alloc : memref<!tpu.dma_semaphore, #tpu.memory_space<semaphore_mem>>
      %dma_start3A = arith.constant 0 : i32
      %dma_start3A_15 = tpu.memref_slice %arg6[%arg0, %mul3A_14, %dma_start3A] : memref<2x10112x128xf32, #tpu.memory_space<hbm>> -> memref<1x632x128xf32, #tpu.memory_space<hbm>>
      %dma_start3A_16 = tpu.memref_squeeze %dma_start3A_15 : memref<1x632x128xf32, #tpu.memory_space<hbm>> -> memref<632x128xf32, #tpu.memory_space<hbm>>
      %dma_start3A_17 = arith.constant 0 : i32
      %dma_start3A_18 = tpu.memref_slice %arg11[%mul3A_12, %dma_start3A_17] : memref<10112x128xf32, #tpu.memory_space<vmem_shared>> -> memref<632x128xf32, #tpu.memory_space<vmem_shared>>
      tpu.enqueue_dma source(%dma_start3A_18 : memref<632x128xf32, #tpu.memory_space<vmem_shared>>) target(%dma_start3A_16 : memref<632x128xf32, #tpu.memory_space<hbm>>) target_semaphore(%run_scoped3A : memref<!tpu.dma_semaphore, #tpu.memory_space<semaphore_mem>>)
      %dma_wait3A = arith.constant 0 : i32
      %dma_wait3A_19 = tpu.memref_slice %arg6[%arg0, %mul3A_14, %dma_wait3A] : memref<2x10112x128xf32, #tpu.memory_space<hbm>> -> memref<1x632x128xf32, #tpu.memory_space<hbm>>
      %dma_wait3A_20 = tpu.memref_squeeze %dma_wait3A_19 : memref<1x632x128xf32, #tpu.memory_space<hbm>> -> memref<632x128xf32, #tpu.memory_space<hbm>>
      %dma_wait3A_21 = arith.constant 0 : i32
      %dma_wait3A_22 = tpu.memref_slice %arg11[%mul3A_12, %dma_wait3A_21] : memref<10112x128xf32, #tpu.memory_space<vmem_shared>> -> memref<632x128xf32, #tpu.memory_space<vmem_shared>>
      tpu.wait_dma2 semaphore(%run_scoped3A : memref<!tpu.dma_semaphore, #tpu.memory_space<semaphore_mem>>) src(%dma_wait3A_22 : memref<632x128xf32, #tpu.memory_space<vmem_shared>>) dst(%dma_wait3A_20 : memref<632x128xf32, #tpu.memory_space<hbm>>)
      tpu.yield
    }) : () -> ()
    return
  }
}

module attributes {stable_mosaic.version = 14 : i64} {
  func.func @_pre_body(%arg0: memref<2x10112x128xf32, #tpu.memory_space<vmem>>, %arg1: memref<10000x128xf32, #tpu.memory_space<vmem>>, %arg2: memref<128x128xf32, #tpu.memory_space<vmem>>, %arg3: memref<10000x128xf32, #tpu.memory_space<vmem>>, %arg4: memref<10000x1xf32, #tpu.memory_space<vmem>>) attributes {dimension_semantics = [], scalar_prefetch = 0 : i64, scratch_operands = 0 : i64, tpu.core_type = #tpu.core_type<tc>} {
    %get3A = arith.constant 0 : index
    %get3A_0 = arith.constant 0 : index
    %get3A_1 = arith.constant 0 : index
    %get3A_2 = vector.load %arg0[%get3A, %get3A_0, %get3A_1] : memref<2x10112x128xf32, #tpu.memory_space<vmem>>, vector<1x10000x1xf32>
    %get3A_3 = vector.shape_cast %get3A_2 : vector<1x10000x1xf32> to vector<10000x1xf32>
    %get3A_4 = arith.constant 1 : index
    %get3A_5 = arith.constant 0 : index
    %get3A_6 = arith.constant 0 : index
    %get3A_7 = vector.load %arg0[%get3A_4, %get3A_5, %get3A_6] : memref<2x10112x128xf32, #tpu.memory_space<vmem>>, vector<1x10000x1xf32>
    %get3A_8 = vector.shape_cast %get3A_7 : vector<1x10000x1xf32> to vector<10000x1xf32>
    %add3A = arith.addf %get3A_3, %get3A_8 : vector<10000x1xf32>
    %add3A_9 = arith.constant 1.000000e+00 : f32
    %add3A_10 = vector.broadcast %add3A_9 : f32 to vector<10000x1xf32>
    %add3A_11 = arith.addf %add3A, %add3A_10 : vector<10000x1xf32>
    %rsqrt3A = math.rsqrt %add3A_11 : vector<10000x1xf32>
    %swap3A = arith.constant 0 : index
    %swap3A_12 = arith.constant 0 : index
    %swap3A_13 = vector.load %arg4[%swap3A, %swap3A_12] : memref<10000x1xf32, #tpu.memory_space<vmem>>, vector<10000x1xf32>
    tpu.vector_store %arg4[%swap3A, %swap3A_12], %rsqrt3A {strides = array<i32>} : memref<10000x1xf32, #tpu.memory_space<vmem>>, vector<10000x1xf32>,
    %get3A_14 = arith.constant 0 : index
    %get3A_15 = arith.constant 0 : index
    %get3A_16 = vector.load %arg1[%get3A_14, %get3A_15] : memref<10000x128xf32, #tpu.memory_space<vmem>>, vector<10000x128xf32>
    %get3A_17 = arith.constant 0 : index
    %get3A_18 = arith.constant 0 : index
    %get3A_19 = vector.load %arg2[%get3A_17, %get3A_18] : memref<128x128xf32, #tpu.memory_space<vmem>>, vector<128x128xf32>
    %dot_general3A = arith.constant dense<0.000000e+00> : vector<10000x128xf32>
    %dot_general3A_20 = tpu.matmul %get3A_16, %get3A_19, %dot_general3A {dimension_numbers = #tpu.dot_dimension_numbers<[1], [0], [0], [1], [0, 0, 1, 1], [], []>, transpose_lhs_hint = false} : vector<10000x128xf32>, vector<128x128xf32>, vector<10000x128xf32> -> vector<10000x128xf32>
    %mul3A = vector.broadcast %rsqrt3A : vector<10000x1xf32> to vector<10000x128xf32>
    %mul3A_21 = arith.mulf %dot_general3A_20, %mul3A : vector<10000x128xf32>
    %swap3A_22 = arith.constant 0 : index
    %swap3A_23 = arith.constant 0 : index
    %swap3A_24 = vector.load %arg3[%swap3A_22, %swap3A_23] : memref<10000x128xf32, #tpu.memory_space<vmem>>, vector<10000x128xf32>
    tpu.vector_store %arg3[%swap3A_22, %swap3A_23], %mul3A_21 {strides = array<i32>} : memref<10000x128xf32, #tpu.memory_space<vmem>>, vector<10000x128xf32>,
    return
  }
}

module attributes {stable_mosaic.version = 14 : i64} {
  func.func @_mid_body(%arg0: memref<2x10112x128xf32, #tpu.memory_space<vmem>>, %arg1: memref<10000x128xf32, #tpu.memory_space<vmem>>, %arg2: memref<10000x1xf32, #tpu.memory_space<vmem>>, %arg3: memref<1x128xf32, #tpu.memory_space<vmem>>, %arg4: memref<1x128xf32, #tpu.memory_space<vmem>>, %arg5: memref<1x128xf32, #tpu.memory_space<vmem>>, %arg6: memref<1x1xf32, #tpu.memory_space<vmem>>, %arg7: memref<128x128xf32, #tpu.memory_space<vmem>>, %arg8: memref<10000x128xf32, #tpu.memory_space<vmem>>) attributes {dimension_semantics = [], scalar_prefetch = 0 : i64, scratch_operands = 0 : i64, tpu.core_type = #tpu.core_type<tc>} {
    %get3A = arith.constant 0 : index
    %get3A_0 = arith.constant 0 : index
    %get3A_1 = vector.load %arg2[%get3A, %get3A_0] : memref<10000x1xf32, #tpu.memory_space<vmem>>, vector<10000x1xf32>
    %get3A_2 = arith.constant 0 : index
    %get3A_3 = arith.constant 0 : index
    %get3A_4 = arith.constant 0 : index
    %get3A_5 = vector.load %arg0[%get3A_2, %get3A_3, %get3A_4] : memref<2x10112x128xf32, #tpu.memory_space<vmem>>, vector<1x10000x128xf32>
    %get3A_6 = vector.shape_cast %get3A_5 : vector<1x10000x128xf32> to vector<10000x128xf32>
    %get3A_7 = arith.constant 1 : index
    %get3A_8 = arith.constant 0 : index
    %get3A_9 = arith.constant 0 : index
    %get3A_10 = vector.load %arg0[%get3A_7, %get3A_8, %get3A_9] : memref<2x10112x128xf32, #tpu.memory_space<vmem>>, vector<1x10000x128xf32>
    %get3A_11 = vector.shape_cast %get3A_10 : vector<1x10000x128xf32> to vector<10000x128xf32>
    %add3A = arith.addf %get3A_6, %get3A_11 : vector<10000x128xf32>
    %get3A_12 = arith.constant 0 : index
    %get3A_13 = arith.constant 0 : index
    %get3A_14 = vector.load %arg1[%get3A_12, %get3A_13] : memref<10000x128xf32, #tpu.memory_space<vmem>>, vector<10000x128xf32>
    %add3A_15 = arith.addf %add3A, %get3A_14 : vector<10000x128xf32>
    %mul3A = vector.broadcast %get3A_1 : vector<10000x1xf32> to vector<10000x128xf32>
    %mul3A_16 = arith.mulf %add3A_15, %mul3A : vector<10000x128xf32>
    %get3A_17 = arith.constant 0 : index
    %get3A_18 = arith.constant 0 : index
    %get3A_19 = vector.load %arg3[%get3A_17, %get3A_18] : memref<1x128xf32, #tpu.memory_space<vmem>>, vector<1x128xf32>
    %add3A_20 = vector.broadcast %get3A_19 : vector<1x128xf32> to vector<10000x128xf32>
    %add3A_21 = arith.addf %mul3A_16, %add3A_20 : vector<10000x128xf32>
    %reduce_sum3A = arith.constant dense<0.000000e+00> : vector<128xf32>
    %reduce_sum3A_22 = vector.multi_reduction <add>, %add3A_21, %reduce_sum3A [0] : vector<10000x128xf32> to vector<128xf32>
    %broadcast_in_dim3A = vector.shape_cast %reduce_sum3A_22 : vector<128xf32> to vector<1x128xf32>
    %div3A = arith.constant 1.000000e+04 : f32
    %div3A_23 = vector.broadcast %div3A : f32 to vector<1x128xf32>
    %div3A_24 = arith.divf %broadcast_in_dim3A, %div3A_23 : vector<1x128xf32>
    %sub3A = vector.broadcast %div3A_24 : vector<1x128xf32> to vector<10000x128xf32>
    %sub3A_25 = arith.subf %add3A_21, %sub3A : vector<10000x128xf32>
    %mul3A_26 = arith.mulf %sub3A_25, %sub3A_25 : vector<10000x128xf32>
    %reduce_sum3A_27 = arith.constant dense<0.000000e+00> : vector<128xf32>
    %reduce_sum3A_28 = vector.multi_reduction <add>, %mul3A_26, %reduce_sum3A_27 [0] : vector<10000x128xf32> to vector<128xf32>
    %broadcast_in_dim3A_29 = vector.shape_cast %reduce_sum3A_28 : vector<128xf32> to vector<1x128xf32>
    %div3A_30 = arith.constant 1.000000e+04 : f32
    %div3A_31 = vector.broadcast %div3A_30 : f32 to vector<1x128xf32>
    %div3A_32 = arith.divf %broadcast_in_dim3A_29, %div3A_31 : vector<1x128xf32>
    %add3A_33 = arith.constant 9.99999974E-6 : f32
    %add3A_34 = vector.broadcast %add3A_33 : f32 to vector<1x128xf32>
    %add3A_35 = arith.addf %div3A_32, %add3A_34 : vector<1x128xf32>
    %rsqrt3A = math.rsqrt %add3A_35 : vector<1x128xf32>
    %mul3A_36 = vector.broadcast %rsqrt3A : vector<1x128xf32> to vector<10000x128xf32>
    %mul3A_37 = arith.mulf %sub3A_25, %mul3A_36 : vector<10000x128xf32>
    %get3A_38 = arith.constant 0 : index
    %get3A_39 = arith.constant 0 : index
    %get3A_40 = vector.load %arg4[%get3A_38, %get3A_39] : memref<1x128xf32, #tpu.memory_space<vmem>>, vector<1x128xf32>
    %mul3A_41 = vector.broadcast %get3A_40 : vector<1x128xf32> to vector<10000x128xf32>
    %mul3A_42 = arith.mulf %mul3A_37, %mul3A_41 : vector<10000x128xf32>
    %get3A_43 = arith.constant 0 : index
    %get3A_44 = arith.constant 0 : index
    %get3A_45 = vector.load %arg5[%get3A_43, %get3A_44] : memref<1x128xf32, #tpu.memory_space<vmem>>, vector<1x128xf32>
    %add3A_46 = vector.broadcast %get3A_45 : vector<1x128xf32> to vector<10000x128xf32>
    %add3A_47 = arith.addf %mul3A_42, %add3A_46 : vector<10000x128xf32>
    %get3A_48 = arith.constant 0 : index
    %get3A_49 = arith.constant 0 : index
    %get3A_50 = vector.load %arg6[%get3A_48, %get3A_49] : memref<1x1xf32, #tpu.memory_space<vmem>>, vector<1x1xf32>
    %ge3A = arith.constant 0.000000e+00 : f32
    %ge3A_51 = vector.broadcast %ge3A : f32 to vector<10000x128xf32>
    %ge3A_52 = arith.cmpf oge, %add3A_47, %ge3A_51 : vector<10000x128xf32>
    %mul3A_53 = vector.broadcast %get3A_50 : vector<1x1xf32> to vector<10000x128xf32>
    %mul3A_54 = arith.mulf %mul3A_53, %add3A_47 : vector<10000x128xf32>
    %select_n3A = arith.select %ge3A_52, %add3A_47, %mul3A_54 : vector<10000x128xi1>, vector<10000x128xf32>
    %get3A_55 = arith.constant 0 : index
    %get3A_56 = arith.constant 0 : index
    %get3A_57 = vector.load %arg7[%get3A_55, %get3A_56] : memref<128x128xf32, #tpu.memory_space<vmem>>, vector<128x128xf32>
    %dot_general3A = arith.constant dense<0.000000e+00> : vector<10000x128xf32>
    %dot_general3A_58 = tpu.matmul %select_n3A, %get3A_57, %dot_general3A {dimension_numbers = #tpu.dot_dimension_numbers<[1], [0], [0], [1], [0, 0, 1, 1], [], []>, transpose_lhs_hint = false} : vector<10000x128xf32>, vector<128x128xf32>, vector<10000x128xf32> -> vector<10000x128xf32>
    %mul3A_59 = vector.broadcast %get3A_1 : vector<10000x1xf32> to vector<10000x128xf32>
    %mul3A_60 = arith.mulf %dot_general3A_58, %mul3A_59 : vector<10000x128xf32>
    %swap3A = arith.constant 0 : index
    %swap3A_61 = arith.constant 0 : index
    %swap3A_62 = vector.load %arg8[%swap3A, %swap3A_61] : memref<10000x128xf32, #tpu.memory_space<vmem>>, vector<10000x128xf32>
    tpu.vector_store %arg8[%swap3A, %swap3A_61], %mul3A_60 {strides = array<i32>} : memref<10000x128xf32, #tpu.memory_space<vmem>>, vector<10000x128xf32>,
    return
  }
}

module attributes {stable_mosaic.version = 14 : i64} {
  func.func @_post_body(%arg0: memref<2x10112x128xf32, #tpu.memory_space<vmem>>, %arg1: memref<10000x128xf32, #tpu.memory_space<vmem>>, %arg2: memref<10000x1xf32, #tpu.memory_space<vmem>>, %arg3: memref<1x128xf32, #tpu.memory_space<vmem>>, %arg4: memref<1x128xf32, #tpu.memory_space<vmem>>, %arg5: memref<1x128xf32, #tpu.memory_space<vmem>>, %arg6: memref<1x1xf32, #tpu.memory_space<vmem>>, %arg7: memref<10000x128xf32, #tpu.memory_space<vmem>>) attributes {dimension_semantics = [], scalar_prefetch = 0 : i64, scratch_operands = 0 : i64, tpu.core_type = #tpu.core_type<tc>} {
    %get3A = arith.constant 0 : index
    %get3A_0 = arith.constant 0 : index
    %get3A_1 = vector.load %arg2[%get3A, %get3A_0] : memref<10000x1xf32, #tpu.memory_space<vmem>>, vector<10000x1xf32>
    %get3A_2 = arith.constant 0 : index
    %get3A_3 = arith.constant 0 : index
    %get3A_4 = arith.constant 0 : index
    %get3A_5 = vector.load %arg0[%get3A_2, %get3A_3, %get3A_4] : memref<2x10112x128xf32, #tpu.memory_space<vmem>>, vector<1x10000x128xf32>
    %get3A_6 = vector.shape_cast %get3A_5 : vector<1x10000x128xf32> to vector<10000x128xf32>
    %get3A_7 = arith.constant 1 : index
    %get3A_8 = arith.constant 0 : index
    %get3A_9 = arith.constant 0 : index
    %get3A_10 = vector.load %arg0[%get3A_7, %get3A_8, %get3A_9] : memref<2x10112x128xf32, #tpu.memory_space<vmem>>, vector<1x10000x128xf32>
    %get3A_11 = vector.shape_cast %get3A_10 : vector<1x10000x128xf32> to vector<10000x128xf32>
    %add3A = arith.addf %get3A_6, %get3A_11 : vector<10000x128xf32>
    %get3A_12 = arith.constant 0 : index
    %get3A_13 = arith.constant 0 : index
    %get3A_14 = vector.load %arg1[%get3A_12, %get3A_13] : memref<10000x128xf32, #tpu.memory_space<vmem>>, vector<10000x128xf32>
    %add3A_15 = arith.addf %add3A, %get3A_14 : vector<10000x128xf32>
    %mul3A = vector.broadcast %get3A_1 : vector<10000x1xf32> to vector<10000x128xf32>
    %mul3A_16 = arith.mulf %add3A_15, %mul3A : vector<10000x128xf32>
    %get3A_17 = arith.constant 0 : index
    %get3A_18 = arith.constant 0 : index
    %get3A_19 = vector.load %arg3[%get3A_17, %get3A_18] : memref<1x128xf32, #tpu.memory_space<vmem>>, vector<1x128xf32>
    %add3A_20 = vector.broadcast %get3A_19 : vector<1x128xf32> to vector<10000x128xf32>
    %add3A_21 = arith.addf %mul3A_16, %add3A_20 : vector<10000x128xf32>
    %reduce_sum3A = arith.constant dense<0.000000e+00> : vector<128xf32>
    %reduce_sum3A_22 = vector.multi_reduction <add>, %add3A_21, %reduce_sum3A [0] : vector<10000x128xf32> to vector<128xf32>
    %broadcast_in_dim3A = vector.shape_cast %reduce_sum3A_22 : vector<128xf32> to vector<1x128xf32>
    %div3A = arith.constant 1.000000e+04 : f32
    %div3A_23 = vector.broadcast %div3A : f32 to vector<1x128xf32>
    %div3A_24 = arith.divf %broadcast_in_dim3A, %div3A_23 : vector<1x128xf32>
    %sub3A = vector.broadcast %div3A_24 : vector<1x128xf32> to vector<10000x128xf32>
    %sub3A_25 = arith.subf %add3A_21, %sub3A : vector<10000x128xf32>
    %mul3A_26 = arith.mulf %sub3A_25, %sub3A_25 : vector<10000x128xf32>
    %reduce_sum3A_27 = arith.constant dense<0.000000e+00> : vector<128xf32>
    %reduce_sum3A_28 = vector.multi_reduction <add>, %mul3A_26, %reduce_sum3A_27 [0] : vector<10000x128xf32> to vector<128xf32>
    %broadcast_in_dim3A_29 = vector.shape_cast %reduce_sum3A_28 : vector<128xf32> to vector<1x128xf32>
    %div3A_30 = arith.constant 1.000000e+04 : f32
    %div3A_31 = vector.broadcast %div3A_30 : f32 to vector<1x128xf32>
    %div3A_32 = arith.divf %broadcast_in_dim3A_29, %div3A_31 : vector<1x128xf32>
    %add3A_33 = arith.constant 9.99999974E-6 : f32
    %add3A_34 = vector.broadcast %add3A_33 : f32 to vector<1x128xf32>
    %add3A_35 = arith.addf %div3A_32, %add3A_34 : vector<1x128xf32>
    %rsqrt3A = math.rsqrt %add3A_35 : vector<1x128xf32>
    %mul3A_36 = vector.broadcast %rsqrt3A : vector<1x128xf32> to vector<10000x128xf32>
    %mul3A_37 = arith.mulf %sub3A_25, %mul3A_36 : vector<10000x128xf32>
    %get3A_38 = arith.constant 0 : index
    %get3A_39 = arith.constant 0 : index
    %get3A_40 = vector.load %arg4[%get3A_38, %get3A_39] : memref<1x128xf32, #tpu.memory_space<vmem>>, vector<1x128xf32>
    %mul3A_41 = vector.broadcast %get3A_40 : vector<1x128xf32> to vector<10000x128xf32>
    %mul3A_42 = arith.mulf %mul3A_37, %mul3A_41 : vector<10000x128xf32>
    %get3A_43 = arith.constant 0 : index
    %get3A_44 = arith.constant 0 : index
    %get3A_45 = vector.load %arg5[%get3A_43, %get3A_44] : memref<1x128xf32, #tpu.memory_space<vmem>>, vector<1x128xf32>
    %add3A_46 = vector.broadcast %get3A_45 : vector<1x128xf32> to vector<10000x128xf32>
    %add3A_47 = arith.addf %mul3A_42, %add3A_46 : vector<10000x128xf32>
    %get3A_48 = arith.constant 0 : index
    %get3A_49 = arith.constant 0 : index
    %get3A_50 = vector.load %arg6[%get3A_48, %get3A_49] : memref<1x1xf32, #tpu.memory_space<vmem>>, vector<1x1xf32>
    %ge3A = arith.constant 0.000000e+00 : f32
    %ge3A_51 = vector.broadcast %ge3A : f32 to vector<10000x128xf32>
    %ge3A_52 = arith.cmpf oge, %add3A_47, %ge3A_51 : vector<10000x128xf32>
    %mul3A_53 = vector.broadcast %get3A_50 : vector<1x1xf32> to vector<10000x128xf32>
    %mul3A_54 = arith.mulf %mul3A_53, %add3A_47 : vector<10000x128xf32>
    %select_n3A = arith.select %ge3A_52, %add3A_47, %mul3A_54 : vector<10000x128xi1>, vector<10000x128xf32>
    %swap3A = arith.constant 0 : index
    %swap3A_55 = arith.constant 0 : index
    %swap3A_56 = vector.load %arg7[%swap3A, %swap3A_55] : memref<10000x128xf32, #tpu.memory_space<vmem>>, vector<10000x128xf32>
    tpu.vector_store %arg7[%swap3A, %swap3A_55], %select_n3A {strides = array<i32>} : memref<10000x128xf32, #tpu.memory_space<vmem>>, vector<10000x128xf32>,
    return
  }
}

</mosaic_0001>

<sc_bundles>
// kernel: kernel.11.cloned.1.call-start
scs
__scs_entry_jumppad:
0x0: {  	(pc) =	sbr.rel $0x88, $3  }
0x1: {  	(tag) =	ssettag $0x0;
	lr =	simm.s32 $0x1  }
0x2: {  	[smem:$0x3F95] =	sst lr;
	_ =	strace $0xD0000000  }
0x3: {  	_ = 	snop  }
0x4: {  	_ = 	snop  }
0x5: {  	_ = 	snop  }
0x6: {  	_ = 	snop  }
0x7: {  	_ = 	snop  }
__scs_overlays_trampoline_lowered:
0x8: {  	[smem:$0x3FA4] =	sst s0  }
0x9: {  	[smem:$0x3FA5] =	sst s1  }
0xa: {  	[smem:$0x3FA6] =	sst s2  }
0xb: {  	[smem:$0x3FA7] =	sst s3  }
0xc: {  	[smem:$0x3FA8] =	sst s4  }
0xd: {  	[smem:$0x3FA9] =	sst s5  }
0xe: {  	[smem:$0x3FAA] =	sst s6  }
0xf: {  	[smem:$0x3FAB] =	sst s7  }
0x10: {  	[smem:$0x3FAC] =	sst s8  }
0x11: {  	[smem:$0x3FAD] =	sst s9;
	s0 =	simm.s32 @!p0 $0x0  }
0x12: {  	s1 =	sld [smem:$0x3F93];
	s0 =	simm.s32 @p0 $0x1  }
0x13: {  	[smem:$0x3FAE] =	sst s0;
	s0 =	simm.s32 @!p1 $0x0  }
0x14: {  	s2 =	sld [smem:$0x3F92];
	s0 =	simm.s32 @p1 $0x1  }
0x15: {  	[smem:$0x3FAF] =	sst s0;
	s0 =	simm.s32 @!p2 $0x0  }
0x16: {  	s3 =	sld [smem:$0x3FDB];
	s0 =	simm.s32 @p2 $0x1  }
0x17: {  	s4 =	simm.s32 $0x1BF5;
	[smem:$0x3FB1] =	sst s0  }
0x18: {  	s0 =	sld [smem:$0x3F94];
	_ =	swait.ge [sflag:s4], $0x0  }
0x19: {  	s7 =	sld [smem:$0x3F95]  }
0x1a: {  	s8 =	sadd.s32 $0xFFFFE003, lr  }
0x1b: {  	s9 =	sadd.s32 $0xFFFFFEF7, lr;
	s5 =	simm.s32 $0xFFFFFFFF;
	p2 =	slt.u32 s8, $0xFFFFF086  }
0x1c: {  	p1 =	slt.u32 s9, $0xF7A;
	s5 =	simm.s32 @!p2 $0x0  }
0x1d: {  	s5 =	simm.s32 @p1 $0x1;
	p0 =	seq.s32 s7, s2  }
0x1e: {  	s7 =	smul.u32 @!p0 $0xF7A, s2;
	p2 =	seq.s32 @!p0 s5, $0x0  }
0x1f: {  	s9 =	smul.u32 $0xF7A, s1;
	s8 =	simm.s32 @!p0 $0x1BF5;
	p2 =	por !p2, p0  }
0x20: {  	[sflag:s8] =	ssyncset.s32 @!p0 $0xFFFFF086;
	s6 =	sadd.s32 @!p0 s3, s7;
	s7 =	simm.s32 @!p0 $0x108  }
0x21: {  	s3 =	sadd.s32 s3, s9;
	s6 =	sadd.s32 @!p0 $0x88, s6;
	s7 =	simm.s32 @p2 $0x1082  }
0x22: {  	[simem:s7], [sflag:s8] =	dma.local @!p0 [hbm:s6], $0xF7A  }
0x23: {  	s9 =	sor.u32 $0xD0000000, s2;
	s6 =	simm.s32 $0x108;
	_ =	swait.ge @!p0 [sflag:s8], $0x0  }
0x24: {  	s3 =	sadd.s32 $0x88, s3;
	s6 =	simm.s32 @!p1 $0x1082;
	[sflag:s4] =	ssyncset.s32 $0xFFFFF086  }
0x25: {  	[simem:s6], [sflag:s4] =	dma.local [hbm:s3], $0xF7A  }
0x26: {  	[smem:$0x3F95] =	sst s1;
	(tag) =	ssettag s2;
	_ =	strace s9  }
0x27: {  	s1 =	sld [smem:$0x3FA5]  }
0x28: {  	s2 =	sld [smem:$0x3FA6]  }
0x29: {  	s4 =	sld [smem:$0x3FA8]  }
0x2a: {  	p0 =	seq.s32 s5, $0x0;
	s5 =	sld [smem:$0x3FA9]  }
0x2b: {  	s6 =	sld [smem:$0x3FAA]  }
0x2c: {  	s7 =	sld [smem:$0x3FAB]  }
0x2d: {  	s3 =	simm.s32 $0x108;
	s8 =	sld [smem:$0x3FAC]  }
0x2e: {  	s3 =	simm.s32 @!p0 $0x1082;
	s9 =	sld [smem:$0x3FAD]  }
0x2f: {  	lr =	sadd.s32 s0, s3;
	s0 =	sld [smem:$0x3FA4]  }
0x30: {  	s3 =	sld [smem:$0x3FA7]  }
0x31: {  	[smem:$0x3FB0] =	sst s10  }
0x32: {  	s10 =	sld [smem:$0x3FAE];
	_ =	sdelay $0x3  }
0x33: {  	p0 =	seq.s32 s10, $0x1;
	s10 =	sld [smem:$0x3FB0];
	_ =	sdelay $0x3  }
0x34: {  	[smem:$0x3FB0] =	sst s10  }
0x35: {  	s10 =	sld [smem:$0x3FAF];
	_ =	sdelay $0x3  }
0x36: {  	p1 =	seq.s32 s10, $0x1;
	s10 =	sld [smem:$0x3FB0];
	_ =	sdelay $0x3  }
0x37: {  	[smem:$0x3FB0] =	sst s10  }
0x38: {  	s10 =	sld [smem:$0x3FB1]  }
0x39: {  	_ = 	snop;
	(pc) =	sbr.ind lr, $3  }
0x3a: {  	_ = 	snop  }
0x3b: {  	_ = 	snop  }
0x3c: {  	p2 =	seq.s32 s10, $0x1;
	s10 =	sld [smem:$0x3FB0]  }
0x3d: {  	_ =	shalt  }
0x3e: {  	_ =	shalt  }
0x3f: {  	_ =	shalt  }
0x40: {  	_ =	shalt  }
0x41: {  	_ =	shalt  }
0x42: {  	_ =	shalt  }
0x43: {  	_ =	shalt  }
0x44: {  	_ =	shalt  }
0x45: {  	_ =	shalt  }
0x46: {  	_ =	shalt  }
0x47: {  	_ =	shalt  }
0x48: {  	_ =	shalt  }
0x49: {  	_ =	shalt  }
0x4a: {  	_ =	shalt  }
0x4b: {  	_ =	shalt  }
0x4c: {  	_ =	shalt  }
0x4d: {  	_ =	shalt  }
0x4e: {  	_ =	shalt  }
0x4f: {  	_ =	shalt  }
0x50: {  	_ =	shalt  }
0x51: {  	_ =	shalt  }
0x52: {  	_ =	shalt  }
0x53: {  	_ =	shalt  }
0x54: {  	_ =	shalt  }
0x55: {  	_ =	shalt  }
0x56: {  	_ =	shalt  }
0x57: {  	_ =	shalt  }
0x58: {  	_ =	shalt  }
0x59: {  	_ =	shalt  }
0x5a: {  	_ =	shalt  }
0x5b: {  	_ =	shalt  }
0x5c: {  	_ =	shalt  }
0x5d: {  	_ =	shalt  }
0x5e: {  	_ =	shalt  }
0x5f: {  	_ =	shalt  }
0x60: {  	_ =	shalt  }
0x61: {  	_ =	shalt  }
0x62: {  	_ =	shalt  }
0x63: {  	_ =	shalt  }
0x64: {  	_ =	shalt  }
0x65: {  	_ =	shalt  }
0x66: {  	_ =	shalt  }
0x67: {  	_ =	shalt  }
0x68: {  	_ =	shalt  }
0x69: {  	_ =	shalt  }
0x6a: {  	_ =	shalt  }
0x6b: {  	_ =	shalt  }
0x6c: {  	_ =	shalt  }
0x6d: {  	_ =	shalt  }
0x6e: {  	_ =	shalt  }
0x6f: {  	_ =	shalt  }
0x70: {  	_ =	shalt  }
0x71: {  	_ =	shalt  }
0x72: {  	_ =	shalt  }
0x73: {  	_ =	shalt  }
0x74: {  	_ =	shalt  }
0x75: {  	_ =	shalt  }
0x76: {  	_ =	shalt  }
0x77: {  	_ =	shalt  }
0x78: {  	_ =	shalt  }
0x79: {  	_ =	shalt  }
0x7a: {  	_ =	shalt  }
0x7b: {  	_ =	shalt  }
0x7c: {  	_ =	shalt  }
0x7d: {  	_ =	shalt  }
0x7e: {  	_ =	shalt  }
0x7f: {  	_ =	shalt  }
0x80: {  	_ =	shalt  }
0x81: {  	_ =	shalt  }
0x82: {  	_ =	shalt  }
0x83: {  	_ =	shalt  }
0x84: {  	_ =	shalt  }
0x85: {  	_ =	shalt  }
0x86: {  	_ =	shalt  }
0x87: {  	_ =	shalt  }
.Lfunc_end0:
.L_simem_size_0:
called_computation.1_lowered:
.L_overlay_start_0:
0x88: {  	s2 =	sld [smem:$0x3FD9]  }
0x89: {  	s3 =	sld [smem:$0x3FFE];
	_ =	sdelay $0x1  }
0x8a: {  	s1 =	srdreg.scid  }
0x8b: {  	s0 =	sand.u32 $0x1, s1  }
0x8c: {  	s17 =	sshll.u32 s0, $0xA;
	s2 =	sadd.s32 s3, s2  }
0x8d: {  	s2 =	sadd.s32 s2, s17  }
0x8e: {  	[smem:$0x3FBC] =	sst s2  }
0x8f: {  	_ = 	snop  }
0x90: {  	s2 =	sld [smem:$0x3FD0];
	(tm) =	ssettm $0x1  }
0x91: {  	s18 =	sld [smem:$0x3FFB];
	_ =	sdelay $0x3  }
0x92: {  	_ =	strace s18  }
0x93: {  	s3 =	sld [smem:$0x3FFC];
	_ =	sdelay $0x3  }
0x94: {  	_ =	strace s3  }
0x95: {  	s3 =	sld [smem:$0x3FFD];
	_ =	sdelay $0x3  }
0x96: {  	_ =	strace s3  }
0x97: {  	_ =	strace $0x8FFFFFFF  }
0x98: {  	s19 =	sld [smem:$0x3FDB];
	_ =	sdelay $0x1  }
0x99: {  	s4 =	simm.s32 $_scs_section_size  }
0x9a: {  	s5 =	simm.s32 $_size__tile_overlayer_lowered;
	s6 =	simm.s32 $_tile_overlayer_lowered  }
0x9b: {  	s22 =	simm.s32 $0x1BFF;
	s21 =	sshll.u32 s6, $0x1;
	s3 =	sadd.s32 s4, s19  }
0x9c: {  	s7 =	simm.s32 $0x0;
	s20 =	sshll.u32 s5, $0x1;
	s5 =	sadd.s32 s21, s3  }
0x9d: {  	[timem:s7], [sflag:s22] =	dma.local [hbm:s5], s20  }
0x9e: {  	_ =	swait.ge [sflag:s22], s20  }
0x9f: {  	s4 =	ssub.s32 $0x0, s20;
	[sflag:s22] =	ssyncset.done $0x0  }
0xa0: {  	[sflag:s22] =	ssyncadd.s32 s4;
	_ =	sdelay $0x1  }
0xa1: {  	s23 =	simm.s32 $0x1B8B  }
0xa2: {  	_ =	swait.ge [sflag:s23], $0x1  }
0xa3: {  	[sflag:s23] =	ssyncset.done $0x0  }
0xa4: {  	s25 =	simm.s32 $0x1B8E;
	s24 =	sld [smem:$0x3FFE];
	[sflag:s23] =	ssyncadd.s32 $0xFFFFFFFF  }
0xa5: {  	s26 =	simm.s32 $execute0_lowered;
	[smem:$0x3FD2] =	sst s25  }
0xa6: {  	s5 =	sshll.u32 s26, $0x1;
	_ =	strace $0x80000049;
	[dreg:$0x1] =	wrdreg $0xFFFFFFFF  }
0xa7: {  	s28 =	simm.s32 $_size_execute0_lowered;
	s3 =	sadd.s32 s3, s5;
	[dreg:$0x0] =	wrdreg $0x0  }
0xa8: {  	s5 =	sshll.u32 s28, $0x1;
	[dreg:$0x2] =	wrdreg s3  }
0xa9: {  	[dreg:$0x3] =	wrdreg s5  }
0xaa: {  	[dreg:$0x4] =	wrdreg $0xC0  }
0xab: {  	_ =	task [dreg:s7], $0x5FFFF  }
0xac: {  	[dreg:$0x1] =	wrdreg $0xFFFFFFFF  }
0xad: {  	[dreg:$0x0] =	wrdreg $0x60  }
0xae: {  	[dreg:$0x2] =	wrdreg s2  }
0xaf: {  	[dreg:$0x3] =	wrdreg s24  }
0xb0: {  	[dreg:$0x4] =	wrdreg $0xA8000  }
0xb1: {  	[dreg:$0x5] =	wrdreg $0x9  }
0xb2: {  	_ =	task.clear_ibuf [dreg:s7], $0x6FFFF;
	_ =	strace $0x90000049  }
0xb3: {  	s29 =	simm.s32 $0x9;
	_ =	strace $0x8000004B  }
0xb4: {  	_ =	swait.ge [sflag:s29], $0x1  }
0xb5: {  	[sflag:s29] =	ssyncadd.s32 $0xFFFFFFFF  }
0xb6: {  	_ =	strace $0x9000004B  }
0xb7: {  	_ =	sfence  }
0xb8: {  	s30 =	sld [smem:$0x0];
	_ =	sdelay $0x2  }
0xb9: {  	s31 =	sshll.u32 s1, $0xD;
	s1 =	sshrl.u32 s1, $0x2  }
0xba: {  	s3 =	sand.u32 $0x4000, s31;
	s1 =	sadd.s32 s1, s30  }
0xbb: {  	s0 =	sor.u32 s3, s0;
	s1 =	sshll.u32 s1, $0x11  }
0xbc: {  	s0 =	sor.u32 s1, s0  }
0xbd: {  	s0 =	sadd.s32 $0x8F2B, s0  }
0xbe: {  	[sflag:s0] =	ssyncadd.remote.s32 $0x1  }
0xbf: {  	_ =	sfence.sel $0xFFFF  }
0xc0: {  	[dreg:$0x0] =	wrdreg $0xFFFFFFFF;
	(pc) =	sbr.abs _section_cstart, $3  }
0xc1: {  	[dreg:$0x1] =	wrdreg $0xFFFFFFFF  }
0xc2: {  	_ =	task.clear_ibuf [dreg:s7], $0x2FFFF;
	_ =	strace $0x9FFFFFFF  }
0xc3: {  	(tm) =	ssettm $0x7FFFFFFF  }
tec
execute0_lowered:
.L_overlay_start_1:
0x0: {  	(tag) =	ssettag $0x1  }
0x1: {  	s2 =	rddreg [dreg:$0x0]  }
0x2: {  	s5 =	rddreg [dreg:$0x1]  }
0x3: {  	s3 =	rddreg [dreg:$0x2]  }
0x4: {  	s0 =	rddreg [dreg:$0x3];
	s1 =	stileid.u32  }
0x5: {  	s6 =	srdreg.scid;
	s4 =	simm.s32 $0x0;
	s15 =	simm.s32 $0x1400  }
0x6: {  	s16 =	simm.s32 $0x80;
	s17 =	simm.s32 $0x2800;
	s18 =	simm.s32 $0x6800  }
0x7: {  	s19 =	simm.s32 $0x1;
	s20 =	simm.s32 $0x2;
	s21 =	simm.s32 $0x2700  }
0x8: {  	s22 =	simm.s32 $0x2780;
	s23 =	simm.s32 $0x0;
	s7 =	smul.u32 $0x13C00, s1  }
0x9: {  	s6 =	sand.u32 $0x1, s6;
	[smem:$0x7FF] =	sst s4;
	s11 =	sadd.s32 $0xD000, s5  }
0xa: {  	s12 =	sadd.s32 $0x3000, s5;
	s10 =	smul.u32 $0x4F000, s1;
	s30 =	sshll.u32 s1, $0x6  }
0xb: {  	s8 =	smul.u32 $0x13C000, s6;
	_ =	strace $0x8000004A;
	s25 =	sshll.u32 s6, $0x4  }
0xc: {  	s26 =	ssub.s32 $0x2, s6;
	s6 =	sor.u32 $0x1C03, s30;
	s9 =	sshrl.u32 s7, $0x3  }
0xd: {  	s28 =	sor.u32 s1, s25;
	s29 =	sshrl.u32 s26, $0x1;
	s10 =	sshrl.u32 s10, $0x2  }
0xe: {  	s9 =	sadd.s32 s9, s5;
	s7 =	sadd.s32 s7, s8;
	s13 =	smul.u32 $0x2800, s28  }
0xf: {  	s8 =	ssub.s32 s26, s29;
	s14 =	sadd.s32 s10, s3;
	s7 =	sshrl.u32 s7, $0x3  }
0x10: {  	s8 =	smax.u32 s8, $0x1;
	s7 =	sadd.s32 s7, s5;
	s31 =	sshrl.u32 s13, $0x3  }
0x11: {  	s5 =	sadd.s32 $0x17000, s9;
	s7 =	sadd.s32 $0x3E800, s7;
	s13 =	sadd.s32 $0x280, s31  }
0x12: {  	s9 =	sadd.s32 s11, s31;
	s10 =	sadd.s32 s12, s31;
	s11 =	sadd.s32 s11, s13  }
0x13: {  	s12 =	sadd.s32 s12, s13;
	s13 =	sshrl.u32 s14, $0x3;
	s14 =	simm.s32 $0x3  }
.LBB2_1:
0x14: {  	[spmem:s13], [sflag:s6] =	dma.local [hbm:s5], $0x2780  }
0x15: {  	_ =	swait.ge [sflag:s14], $0x2780  }
0x16: {  	[sflag:s14] =	ssyncset.done $0x0  }
0x17: {  	[sflag:s14] =	ssyncadd.s32 $0xFFFFD880  }
0x18: {  	[bflag:$0x0] =	sbarrier.arrive $0xFFFF  }
0x19: {  	[tilespmem:s4], [sflag:$0x3] =	stream.linear.gather [hbm4b:s9+s4], $0x1400, $0x38;
	[tilespmem:$0x1E400] =	vst v63  }
0x1a: {  	_ =	swait.ge [sflag:s14], $0x1400  }
0x1b: {  	[sflag:s14] =	ssyncset.done $0x0  }
0x1c: {  	[sflag:s14] =	ssyncadd.s32 $0xFFFFEC00  }
0x1d: {  	[tilespmem:s15], [sflag:$0x3] =	stream.linear.gather [hbm4b:s10+s4], $0x1400, $0x38;
	[tilespmem:$0x1E400] =	vst v63  }
0x1e: {  	_ =	swait.ge [sflag:s14], $0x1400  }
0x1f: {  	[sflag:s14] =	ssyncset.done $0x0  }
0x20: {  	[sflag:s14] =	ssyncadd.s32 $0xFFFFEC00  }
0x21: {  	[tilespmem:s17], [sflag:$0x1] =	stream.indirect.gather [hbm4b:s2+s16], $0x80, s4, s16, $0xb8;
	[tilespmem:$0x1E400] =	vst v63  }
0x22: {  	_ = 	snop  }
0x23: {  	[tilespmem:s18], [sflag:$0x2] =	stream.indirect.gather [hbm4b:s2+s16], $0x80, s16, s16, $0xb8;
	[tilespmem:$0x1E400] =	vst v63  }
0x24: {  	_ =	swait.ge [sflag:s19], $0x4000  }
0x25: {  	[sflag:s19] =	ssyncset.done $0x0  }
0x26: {  	s24 =	simm.s32 $0x1400;
	[sflag:s19] =	ssyncadd.s32 $0xFFFFC000  }
0x27: {  	[spmem:s3] =	stream.indirect.scatter.add.f32 [tilespmem:s17], [sflag:$0x3], $0x80, s24, s16, $0xb8;
	[tilespmem:$0x1E400] =	vst v63  }
0x28: {  	_ =	swait.ge [sflag:s14], $0x4000  }
0x29: {  	[sflag:s14] =	ssyncset.done $0x0  }
0x2a: {  	s30 =	simm.s32 $0x100;
	[sflag:s14] =	ssyncadd.s32 $0xFFFFC000  }
0x2b: {  	[tilespmem:s17], [sflag:$0x1] =	stream.indirect.gather [hbm4b:s2+s16], $0x80, s30, s16, $0xb8;
	[tilespmem:$0x1E400] =	vst v63  }
0x2c: {  	_ =	swait.ge [sflag:s20], $0x4000  }
0x2d: {  	[sflag:s20] =	ssyncset.done $0x0  }
0x2e: {  	s31 =	simm.s32 $0x1480;
	[sflag:s20] =	ssyncadd.s32 $0xFFFFC000  }
0x2f: {  	[spmem:s3] =	stream.indirect.scatter.add.f32 [tilespmem:s18], [sflag:$0x3], $0x80, s31, s16, $0xb8;
	[tilespmem:$0x1E400] =	vst v63  }
0x30: {  	_ =	swait.ge [sflag:s14], $0x4000  }
0x31: {  	[sflag:s14] =	ssyncset.done $0x0  }
0x32: {  	s25 =	simm.s32 $0x180;
	s24 =	simm.s32 $0x400;
	[sflag:s14] =	ssyncadd.s32 $0xFFFFC000  }
.LBB2_2:
0x33: {  	[tilespmem:s18], [sflag:$0x2] =	stream.indirect.gather [hbm4b:s2+s16], $0x80, s25, s16, $0xb8;
	[tilespmem:$0x1E400] =	vst v63  }
0x34: {  	s25 =	smov.u32 s24  }
0x35: {  	p0 =	sne.s32 s24, $0x4800;
	s24 =	sadd.s32 $0x400, s24;
	_ =	swait.ge [sflag:s19], $0x4000  }
0x36: {  	s25 =	sshra.s32 s25, $0x2;
	[sflag:s19] =	ssyncset.done $0x0  }
0x37: {  	s26 =	sadd.s32 $0x1400, s25;
	[sflag:s19] =	ssyncadd.s32 $0xFFFFC000  }
0x38: {  	[spmem:s3] =	stream.indirect.scatter.add.f32 [tilespmem:s17], [sflag:$0x3], $0x80, s26, s16, $0xb8;
	[tilespmem:$0x1E400] =	vst v63  }
0x39: {  	_ =	swait.ge [sflag:s14], $0x4000  }
0x3a: {  	[sflag:s14] =	ssyncset.done $0x0  }
0x3b: {  	s26 =	sadd.s32 $0x100, s25;
	[sflag:s14] =	ssyncadd.s32 $0xFFFFC000  }
0x3c: {  	[tilespmem:s17], [sflag:$0x1] =	stream.indirect.gather [hbm4b:s2+s16], $0x80, s26, s16, $0xb8;
	[tilespmem:$0x1E400] =	vst v63  }
0x3d: {  	_ =	swait.ge [sflag:s20], $0x4000  }
0x3e: {  	[sflag:s20] =	ssyncset.done $0x0  }
.Ltmp0:
0x3f: {  	s26 =	sadd.s32 $0x1480, s25;
	[sflag:s20] =	ssyncadd.s32 $0xFFFFC000;
	(pc) =	sbr.rel @p0 .LBB2_2-.Ltmp0, $4  }
0x40: {  	[spmem:s3] =	stream.indirect.scatter.add.f32 [tilespmem:s18], [sflag:$0x3], $0x80, s26, s16, $0xb8;
	[tilespmem:$0x1E400] =	vst v63  }
0x41: {  	_ =	swait.ge [sflag:s14], $0x4000  }
0x42: {  	[sflag:s14] =	ssyncset.done $0x0  }
0x43: {  	s25 =	sadd.s32 $0x180, s25;
	[sflag:s14] =	ssyncadd.s32 $0xFFFFC000  }
0x44: {  	[tilespmem:s18], [sflag:$0x2] =	stream.indirect.gather [hbm4b:s2+s16], $0x80, s25, s16, $0xb8;
	[tilespmem:$0x1E400] =	vst v63  }
0x45: {  	_ =	swait.ge [sflag:s19], $0x4000  }
0x46: {  	[sflag:s19] =	ssyncset.done $0x0  }
0x47: {  	[sflag:s19] =	ssyncadd.s32 $0xFFFFC000  }
0x48: {  	[spmem:s3] =	stream.indirect.scatter.add.f32 [tilespmem:s17], [sflag:$0x3], $0x80, s21, s16, $0xb8;
	[tilespmem:$0x1E400] =	vst v63  }
0x49: {  	_ =	swait.ge [sflag:s14], $0x4000  }
0x4a: {  	[sflag:s14] =	ssyncset.done $0x0  }
0x4b: {  	[sflag:s14] =	ssyncadd.s32 $0xFFFFC000  }
0x4c: {  	_ =	swait.ge [sflag:s20], $0x4000  }
0x4d: {  	[sflag:s20] =	ssyncset.done $0x0  }
0x4e: {  	[sflag:s20] =	ssyncadd.s32 $0xFFFFC000  }
0x4f: {  	[spmem:s3] =	stream.indirect.scatter.add.f32 [tilespmem:s18], [sflag:$0x3], $0x80, s22, s16, $0xb8;
	[tilespmem:$0x1E400] =	vst v63  }
0x50: {  	_ =	swait.ge [sflag:s14], $0x4000  }
0x51: {  	[sflag:s14] =	ssyncset.done $0x0  }
0x52: {  	s24 =	simm.s32 $0x0;
	[sflag:s14] =	ssyncadd.s32 $0xFFFFC000  }
0x53: {  	[tilespmem:s24], [sflag:$0x3] =	stream.linear.gather [hbm4b:s11+s24], $0x1400, $0x38;
	[tilespmem:$0x1E400] =	vst v63  }
0x54: {  	_ =	swait.ge [sflag:s14], $0x1400  }
0x55: {  	[sflag:s14] =	ssyncset.done $0x0  }
0x56: {  	[sflag:s14] =	ssyncadd.s32 $0xFFFFEC00  }
0x57: {  	[tilespmem:s15], [sflag:$0x3] =	stream.linear.gather [hbm4b:s12+s24], $0x1400, $0x38;
	[tilespmem:$0x1E400] =	vst v63  }
0x58: {  	_ =	swait.ge [sflag:s14], $0x1400  }
0x59: {  	[sflag:s14] =	ssyncset.done $0x0  }
0x5a: {  	[sflag:s14] =	ssyncadd.s32 $0xFFFFEC00  }
0x5b: {  	[tilespmem:s17], [sflag:$0x1] =	stream.indirect.gather [hbm4b:s2+s16], $0x80, s24, s16, $0xb8;
	[tilespmem:$0x1E400] =	vst v63  }
0x5c: {  	_ = 	snop  }
0x5d: {  	[tilespmem:s18], [sflag:$0x2] =	stream.indirect.gather [hbm4b:s2+s16], $0x80, s16, s16, $0xb8;
	[tilespmem:$0x1E400] =	vst v63  }
0x5e: {  	_ =	swait.ge [sflag:s19], $0x4000  }
0x5f: {  	[sflag:s19] =	ssyncset.done $0x0  }
0x60: {  	s29 =	simm.s32 $0x1400;
	[sflag:s19] =	ssyncadd.s32 $0xFFFFC000  }
0x61: {  	[spmem:s3] =	stream.indirect.scatter.add.f32 [tilespmem:s17], [sflag:$0x3], $0x80, s29, s16, $0xb8;
	[tilespmem:$0x1E400] =	vst v63  }
0x62: {  	_ =	swait.ge [sflag:s14], $0x4000  }
0x63: {  	[sflag:s14] =	ssyncset.done $0x0  }
0x64: {  	s30 =	simm.s32 $0x100;
	[sflag:s14] =	ssyncadd.s32 $0xFFFFC000  }
0x65: {  	[tilespmem:s17], [sflag:$0x1] =	stream.indirect.gather [hbm4b:s2+s16], $0x80, s30, s16, $0xb8;
	[tilespmem:$0x1E400] =	vst v63  }
0x66: {  	_ =	swait.ge [sflag:s20], $0x4000  }
0x67: {  	[sflag:s20] =	ssyncset.done $0x0  }
0x68: {  	s31 =	simm.s32 $0x1480;
	[sflag:s20] =	ssyncadd.s32 $0xFFFFC000  }
0x69: {  	[spmem:s3] =	stream.indirect.scatter.add.f32 [tilespmem:s18], [sflag:$0x3], $0x80, s31, s16, $0xb8;
	[tilespmem:$0x1E400] =	vst v63  }
0x6a: {  	_ =	swait.ge [sflag:s14], $0x4000  }
0x6b: {  	[sflag:s14] =	ssyncset.done $0x0  }
0x6c: {  	s25 =	simm.s32 $0x180;
	s24 =	simm.s32 $0x400;
	[sflag:s14] =	ssyncadd.s32 $0xFFFFC000  }
.LBB2_4:
0x6d: {  	[tilespmem:s18], [sflag:$0x2] =	stream.indirect.gather [hbm4b:s2+s16], $0x80, s25, s16, $0xb8;
	[tilespmem:$0x1E400] =	vst v63  }
0x6e: {  	s25 =	smov.u32 s24  }
0x6f: {  	p0 =	sne.s32 s24, $0x4800;
	s24 =	sadd.s32 $0x400, s24;
	_ =	swait.ge [sflag:s19], $0x4000  }
0x70: {  	s25 =	sshra.s32 s25, $0x2;
	[sflag:s19] =	ssyncset.done $0x0  }
0x71: {  	s26 =	sadd.s32 $0x1400, s25;
	[sflag:s19] =	ssyncadd.s32 $0xFFFFC000  }
0x72: {  	[spmem:s3] =	stream.indirect.scatter.add.f32 [tilespmem:s17], [sflag:$0x3], $0x80, s26, s16, $0xb8;
	[tilespmem:$0x1E400] =	vst v63  }
0x73: {  	_ =	swait.ge [sflag:s14], $0x4000  }
0x74: {  	[sflag:s14] =	ssyncset.done $0x0  }
0x75: {  	s26 =	sadd.s32 $0x100, s25;
	[sflag:s14] =	ssyncadd.s32 $0xFFFFC000  }
0x76: {  	[tilespmem:s17], [sflag:$0x1] =	stream.indirect.gather [hbm4b:s2+s16], $0x80, s26, s16, $0xb8;
	[tilespmem:$0x1E400] =	vst v63  }
0x77: {  	_ =	swait.ge [sflag:s20], $0x4000  }
0x78: {  	[sflag:s20] =	ssyncset.done $0x0  }
.Ltmp1:
0x79: {  	s26 =	sadd.s32 $0x1480, s25;
	[sflag:s20] =	ssyncadd.s32 $0xFFFFC000;
	(pc) =	sbr.rel @p0 .LBB2_4-.Ltmp1, $4  }
0x7a: {  	[spmem:s3] =	stream.indirect.scatter.add.f32 [tilespmem:s18], [sflag:$0x3], $0x80, s26, s16, $0xb8;
	[tilespmem:$0x1E400] =	vst v63  }
0x7b: {  	_ =	swait.ge [sflag:s14], $0x4000  }
0x7c: {  	[sflag:s14] =	ssyncset.done $0x0  }
0x7d: {  	s25 =	sadd.s32 $0x180, s25;
	[sflag:s14] =	ssyncadd.s32 $0xFFFFC000  }
0x7e: {  	[tilespmem:s18], [sflag:$0x2] =	stream.indirect.gather [hbm4b:s2+s16], $0x80, s25, s16, $0xb8;
	[tilespmem:$0x1E400] =	vst v63  }
0x7f: {  	_ =	swait.ge [sflag:s19], $0x4000  }
0x80: {  	[sflag:s19] =	ssyncset.done $0x0  }
0x81: {  	[sflag:s19] =	ssyncadd.s32 $0xFFFFC000  }
0x82: {  	[spmem:s3] =	stream.indirect.scatter.add.f32 [tilespmem:s17], [sflag:$0x3], $0x80, s21, s16, $0xb8;
	[tilespmem:$0x1E400] =	vst v63  }
0x83: {  	_ =	swait.ge [sflag:s14], $0x4000  }
0x84: {  	[sflag:s14] =	ssyncset.done $0x0  }
0x85: {  	[sflag:s14] =	ssyncadd.s32 $0xFFFFC000  }
0x86: {  	_ =	swait.ge [sflag:s20], $0x4000  }
0x87: {  	[sflag:s20] =	ssyncset.done $0x0  }
0x88: {  	[sflag:s20] =	ssyncadd.s32 $0xFFFFC000  }
0x89: {  	[spmem:s3] =	stream.indirect.scatter.add.f32 [tilespmem:s18], [sflag:$0x3], $0x80, s22, s16, $0xb8;
	[tilespmem:$0x1E400] =	vst v63  }
0x8a: {  	_ =	swait.ge [sflag:s14], $0x4000  }
0x8b: {  	s23 =	sadd.s32 $0x1, s23;
	[sflag:s14] =	ssyncset.done $0x0  }
0x8c: {  	p0 =	sne.s32 s23, s8;
	[sflag:s14] =	ssyncadd.s32 $0xFFFFC000  }
.Ltmp2:
0x8d: {  	[bflag:$0x0] =	sbarrier.arrive $0xFFFF;
	(pc) =	sbr.rel @p0 .LBB2_1-.Ltmp2, $4  }
0x8e: {  	[hbm:s7], [sflag:s6] =	dma.local [spmem:s13], $0x2780  }
0x8f: {  	_ =	swait.ge [sflag:s14], $0x2780  }
0x90: {  	[sflag:s14] =	ssyncset.done $0x0  }
0x91: {  	[sflag:s14] =	ssyncadd.s32 $0xFFFFD880  }
0x92: {  	_ =	sfence.sel $0x180000  }
0x93: {  	[bflag:$0x0] =	sbarrier.arrive $0xFFFF  }
0x94: {  	p0 =	sne.s32 s1, $0x0;
	_ =	strace $0x9000004A  }
0x95: {  	s0 =	sadd.s32 @!p0 $0x100000, s0;
	[bflag:$0x2] =	sbarrier.arrive $0xFFFF  }
0x96: {  	[sflag:s0] =	ssyncadd.tile.s32 @!p0 $0x1;
	_ =	shalt  }
.Lfunc_end2:
_tile_overlayer_lowered:
.L_overlay_start_2:
0x97: {  	(tag) =	ssettag $0x2  }
0x98: {  	s0 =	rddreg [dreg:$0x0];
	s2 =	stileid.u32  }
0x99: {  	s1 =	rddreg [dreg:$0x1];
	p0 =	sne.s32 s2, $0x0  }
0x9a: {  	s3 =	rddreg [dreg:$0x2];
	[bflag:$0x3] =	sbarrier.arrive $0xFFFF;
	s2 =	simm.s32 @!p0 $0x1C03  }
0x9b: {  	[timem:s3], [sflag:s2] =	dma.local @!p0 [hbm:s0], s1  }
0x9c: {  	s0 =	simm.s32 @!p0 $0x3  }
0x9d: {  	_ =	swait.ge @!p0 [sflag:s0], s1  }
0x9e: {  	s1 =	ssub.s32 @!p0 $0x0, s1;
	[sflag:s0] =	ssyncset.done @!p0 $0x0  }
0x9f: {  	[sflag:s0] =	ssyncadd.s32 @!p0 s1  }
0xa0: {  	[bflag:$0x3] =	sbarrier.arrive $0xFFFF  }
0xa1: {  	_ =	shalt  }

// kernel: kernel.14.cloned.1.call-start
scs
__scs_entry_jumppad:
0x0: {  	(pc) =	sbr.rel $0x88, $3  }
0x1: {  	(tag) =	ssettag $0x0;
	lr =	simm.s32 $0x1  }
0x2: {  	[smem:$0x3F95] =	sst lr;
	_ =	strace $0xD0000000  }
0x3: {  	_ = 	snop  }
0x4: {  	_ = 	snop  }
0x5: {  	_ = 	snop  }
0x6: {  	_ = 	snop  }
0x7: {  	_ = 	snop  }
__scs_overlays_trampoline_lowered:
0x8: {  	[smem:$0x3FA4] =	sst s0  }
0x9: {  	[smem:$0x3FA5] =	sst s1  }
0xa: {  	[smem:$0x3FA6] =	sst s2  }
0xb: {  	[smem:$0x3FA7] =	sst s3  }
0xc: {  	[smem:$0x3FA8] =	sst s4  }
0xd: {  	[smem:$0x3FA9] =	sst s5  }
0xe: {  	[smem:$0x3FAA] =	sst s6  }
0xf: {  	[smem:$0x3FAB] =	sst s7  }
0x10: {  	[smem:$0x3FAC] =	sst s8  }
0x11: {  	[smem:$0x3FAD] =	sst s9;
	s0 =	simm.s32 @!p0 $0x0  }
0x12: {  	s1 =	sld [smem:$0x3F93];
	s0 =	simm.s32 @p0 $0x1  }
0x13: {  	[smem:$0x3FAE] =	sst s0;
	s0 =	simm.s32 @!p1 $0x0  }
0x14: {  	s2 =	sld [smem:$0x3F92];
	s0 =	simm.s32 @p1 $0x1  }
0x15: {  	[smem:$0x3FAF] =	sst s0;
	s0 =	simm.s32 @!p2 $0x0  }
0x16: {  	s3 =	sld [smem:$0x3FDB];
	s0 =	simm.s32 @p2 $0x1  }
0x17: {  	s4 =	simm.s32 $0x1BF5;
	[smem:$0x3FB1] =	sst s0  }
0x18: {  	s0 =	sld [smem:$0x3F94];
	_ =	swait.ge [sflag:s4], $0x0  }
0x19: {  	s7 =	sld [smem:$0x3F95]  }
0x1a: {  	s8 =	sadd.s32 $0xFFFFE003, lr  }
0x1b: {  	s9 =	sadd.s32 $0xFFFFFEF7, lr;
	s5 =	simm.s32 $0xFFFFFFFF;
	p2 =	slt.u32 s8, $0xFFFFF086  }
0x1c: {  	p1 =	slt.u32 s9, $0xF7A;
	s5 =	simm.s32 @!p2 $0x0  }
0x1d: {  	s5 =	simm.s32 @p1 $0x1;
	p0 =	seq.s32 s7, s2  }
0x1e: {  	s7 =	smul.u32 @!p0 $0xF7A, s2;
	p2 =	seq.s32 @!p0 s5, $0x0  }
0x1f: {  	s9 =	smul.u32 $0xF7A, s1;
	s8 =	simm.s32 @!p0 $0x1BF5;
	p2 =	por !p2, p0  }
0x20: {  	[sflag:s8] =	ssyncset.s32 @!p0 $0xFFFFF086;
	s6 =	sadd.s32 @!p0 s3, s7;
	s7 =	simm.s32 @!p0 $0x108  }
0x21: {  	s3 =	sadd.s32 s3, s9;
	s6 =	sadd.s32 @!p0 $0x88, s6;
	s7 =	simm.s32 @p2 $0x1082  }
0x22: {  	[simem:s7], [sflag:s8] =	dma.local @!p0 [hbm:s6], $0xF7A  }
0x23: {  	s9 =	sor.u32 $0xD0000000, s2;
	s6 =	simm.s32 $0x108;
	_ =	swait.ge @!p0 [sflag:s8], $0x0  }
0x24: {  	s3 =	sadd.s32 $0x88, s3;
	s6 =	simm.s32 @!p1 $0x1082;
	[sflag:s4] =	ssyncset.s32 $0xFFFFF086  }
0x25: {  	[simem:s6], [sflag:s4] =	dma.local [hbm:s3], $0xF7A  }
0x26: {  	[smem:$0x3F95] =	sst s1;
	(tag) =	ssettag s2;
	_ =	strace s9  }
0x27: {  	s1 =	sld [smem:$0x3FA5]  }
0x28: {  	s2 =	sld [smem:$0x3FA6]  }
0x29: {  	s4 =	sld [smem:$0x3FA8]  }
0x2a: {  	p0 =	seq.s32 s5, $0x0;
	s5 =	sld [smem:$0x3FA9]  }
0x2b: {  	s6 =	sld [smem:$0x3FAA]  }
0x2c: {  	s7 =	sld [smem:$0x3FAB]  }
0x2d: {  	s3 =	simm.s32 $0x108;
	s8 =	sld [smem:$0x3FAC]  }
0x2e: {  	s3 =	simm.s32 @!p0 $0x1082;
	s9 =	sld [smem:$0x3FAD]  }
0x2f: {  	lr =	sadd.s32 s0, s3;
	s0 =	sld [smem:$0x3FA4]  }
0x30: {  	s3 =	sld [smem:$0x3FA7]  }
0x31: {  	[smem:$0x3FB0] =	sst s10  }
0x32: {  	s10 =	sld [smem:$0x3FAE];
	_ =	sdelay $0x3  }
0x33: {  	p0 =	seq.s32 s10, $0x1;
	s10 =	sld [smem:$0x3FB0];
	_ =	sdelay $0x3  }
0x34: {  	[smem:$0x3FB0] =	sst s10  }
0x35: {  	s10 =	sld [smem:$0x3FAF];
	_ =	sdelay $0x3  }
0x36: {  	p1 =	seq.s32 s10, $0x1;
	s10 =	sld [smem:$0x3FB0];
	_ =	sdelay $0x3  }
0x37: {  	[smem:$0x3FB0] =	sst s10  }
0x38: {  	s10 =	sld [smem:$0x3FB1]  }
0x39: {  	_ = 	snop;
	(pc) =	sbr.ind lr, $3  }
0x3a: {  	_ = 	snop  }
0x3b: {  	_ = 	snop  }
0x3c: {  	p2 =	seq.s32 s10, $0x1;
	s10 =	sld [smem:$0x3FB0]  }
0x3d: {  	_ =	shalt  }
0x3e: {  	_ =	shalt  }
0x3f: {  	_ =	shalt  }
0x40: {  	_ =	shalt  }
0x41: {  	_ =	shalt  }
0x42: {  	_ =	shalt  }
0x43: {  	_ =	shalt  }
0x44: {  	_ =	shalt  }
0x45: {  	_ =	shalt  }
0x46: {  	_ =	shalt  }
0x47: {  	_ =	shalt  }
0x48: {  	_ =	shalt  }
0x49: {  	_ =	shalt  }
0x4a: {  	_ =	shalt  }
0x4b: {  	_ =	shalt  }
0x4c: {  	_ =	shalt  }
0x4d: {  	_ =	shalt  }
0x4e: {  	_ =	shalt  }
0x4f: {  	_ =	shalt  }
0x50: {  	_ =	shalt  }
0x51: {  	_ =	shalt  }
0x52: {  	_ =	shalt  }
0x53: {  	_ =	shalt  }
0x54: {  	_ =	shalt  }
0x55: {  	_ =	shalt  }
0x56: {  	_ =	shalt  }
0x57: {  	_ =	shalt  }
0x58: {  	_ =	shalt  }
0x59: {  	_ =	shalt  }
0x5a: {  	_ =	shalt  }
0x5b: {  	_ =	shalt  }
0x5c: {  	_ =	shalt  }
0x5d: {  	_ =	shalt  }
0x5e: {  	_ =	shalt  }
0x5f: {  	_ =	shalt  }
0x60: {  	_ =	shalt  }
0x61: {  	_ =	shalt  }
0x62: {  	_ =	shalt  }
0x63: {  	_ =	shalt  }
0x64: {  	_ =	shalt  }
0x65: {  	_ =	shalt  }
0x66: {  	_ =	shalt  }
0x67: {  	_ =	shalt  }
0x68: {  	_ =	shalt  }
0x69: {  	_ =	shalt  }
0x6a: {  	_ =	shalt  }
0x6b: {  	_ =	shalt  }
0x6c: {  	_ =	shalt  }
0x6d: {  	_ =	shalt  }
0x6e: {  	_ =	shalt  }
0x6f: {  	_ =	shalt  }
0x70: {  	_ =	shalt  }
0x71: {  	_ =	shalt  }
0x72: {  	_ =	shalt  }
0x73: {  	_ =	shalt  }
0x74: {  	_ =	shalt  }
0x75: {  	_ =	shalt  }
0x76: {  	_ =	shalt  }
0x77: {  	_ =	shalt  }
0x78: {  	_ =	shalt  }
0x79: {  	_ =	shalt  }
0x7a: {  	_ =	shalt  }
0x7b: {  	_ =	shalt  }
0x7c: {  	_ =	shalt  }
0x7d: {  	_ =	shalt  }
0x7e: {  	_ =	shalt  }
0x7f: {  	_ =	shalt  }
0x80: {  	_ =	shalt  }
0x81: {  	_ =	shalt  }
0x82: {  	_ =	shalt  }
0x83: {  	_ =	shalt  }
0x84: {  	_ =	shalt  }
0x85: {  	_ =	shalt  }
0x86: {  	_ =	shalt  }
0x87: {  	_ =	shalt  }
.Lfunc_end0:
.L_simem_size_0:
called_computation.2_lowered:
.L_overlay_start_0:
0x88: {  	s2 =	sld [smem:$0x3FD9]  }
0x89: {  	s3 =	sld [smem:$0x3FFE];
	_ =	sdelay $0x1  }
0x8a: {  	s1 =	srdreg.scid  }
0x8b: {  	s0 =	sand.u32 $0x1, s1  }
0x8c: {  	s17 =	sshll.u32 s0, $0xA;
	s2 =	sadd.s32 s3, s2  }
0x8d: {  	s2 =	sadd.s32 s2, s17  }
0x8e: {  	[smem:$0x3FBC] =	sst s2  }
0x8f: {  	_ = 	snop  }
0x90: {  	s2 =	sld [smem:$0x3FD0];
	(tm) =	ssettm $0x1  }
0x91: {  	s18 =	sld [smem:$0x3FFB];
	_ =	sdelay $0x3  }
0x92: {  	_ =	strace s18  }
0x93: {  	s3 =	sld [smem:$0x3FFC];
	_ =	sdelay $0x3  }
0x94: {  	_ =	strace s3  }
0x95: {  	s3 =	sld [smem:$0x3FFD];
	_ =	sdelay $0x3  }
0x96: {  	_ =	strace s3  }
0x97: {  	_ =	strace $0x8FFFFFFF  }
0x98: {  	s19 =	sld [smem:$0x3FDB];
	_ =	sdelay $0x1  }
0x99: {  	s4 =	simm.s32 $_scs_section_size  }
0x9a: {  	s5 =	simm.s32 $_size__tile_overlayer_lowered;
	s6 =	simm.s32 $_tile_overlayer_lowered  }
0x9b: {  	s22 =	simm.s32 $0x1BFF;
	s21 =	sshll.u32 s6, $0x1;
	s3 =	sadd.s32 s4, s19  }
0x9c: {  	s7 =	simm.s32 $0x0;
	s20 =	sshll.u32 s5, $0x1;
	s5 =	sadd.s32 s21, s3  }
0x9d: {  	[timem:s7], [sflag:s22] =	dma.local [hbm:s5], s20  }
0x9e: {  	_ =	swait.ge [sflag:s22], s20  }
0x9f: {  	s4 =	ssub.s32 $0x0, s20;
	[sflag:s22] =	ssyncset.done $0x0  }
0xa0: {  	[sflag:s22] =	ssyncadd.s32 s4;
	_ =	sdelay $0x1  }
0xa1: {  	s23 =	simm.s32 $0x1B8B  }
0xa2: {  	_ =	swait.ge [sflag:s23], $0x1  }
0xa3: {  	[sflag:s23] =	ssyncset.done $0x0  }
0xa4: {  	s25 =	simm.s32 $0x1B8E;
	s24 =	sld [smem:$0x3FFE];
	[sflag:s23] =	ssyncadd.s32 $0xFFFFFFFF  }
0xa5: {  	s26 =	simm.s32 $execute0_lowered;
	[smem:$0x3FD2] =	sst s25  }
0xa6: {  	s5 =	sshll.u32 s26, $0x1;
	_ =	strace $0x8000004C;
	[dreg:$0x1] =	wrdreg $0xFFFFFFFF  }
0xa7: {  	s28 =	simm.s32 $_size_execute0_lowered;
	s3 =	sadd.s32 s3, s5;
	[dreg:$0x0] =	wrdreg $0x0  }
0xa8: {  	s5 =	sshll.u32 s28, $0x1;
	[dreg:$0x2] =	wrdreg s3  }
0xa9: {  	[dreg:$0x3] =	wrdreg s5  }
0xaa: {  	[dreg:$0x4] =	wrdreg $0xC0  }
0xab: {  	_ =	task [dreg:s7], $0x5FFFF  }
0xac: {  	[dreg:$0x1] =	wrdreg $0xFFFFFFFF  }
0xad: {  	[dreg:$0x0] =	wrdreg $0x60  }
0xae: {  	[dreg:$0x2] =	wrdreg s2  }
0xaf: {  	[dreg:$0x3] =	wrdreg s24  }
0xb0: {  	[dreg:$0x4] =	wrdreg $0xA8000  }
0xb1: {  	[dreg:$0x5] =	wrdreg $0x9  }
0xb2: {  	_ =	task.clear_ibuf [dreg:s7], $0x6FFFF;
	_ =	strace $0x9000004C  }
0xb3: {  	s29 =	simm.s32 $0x9;
	_ =	strace $0x8000004E  }
0xb4: {  	_ =	swait.ge [sflag:s29], $0x1  }
0xb5: {  	[sflag:s29] =	ssyncadd.s32 $0xFFFFFFFF  }
0xb6: {  	_ =	strace $0x9000004E  }
0xb7: {  	_ =	sfence  }
0xb8: {  	s30 =	sld [smem:$0x0];
	_ =	sdelay $0x2  }
0xb9: {  	s31 =	sshll.u32 s1, $0xD;
	s1 =	sshrl.u32 s1, $0x2  }
0xba: {  	s3 =	sand.u32 $0x4000, s31;
	s1 =	sadd.s32 s1, s30  }
0xbb: {  	s0 =	sor.u32 s3, s0;
	s1 =	sshll.u32 s1, $0x11  }
0xbc: {  	s0 =	sor.u32 s1, s0  }
0xbd: {  	s0 =	sadd.s32 $0x8F2B, s0  }
0xbe: {  	[sflag:s0] =	ssyncadd.remote.s32 $0x1  }
0xbf: {  	_ =	sfence.sel $0xFFFF  }
0xc0: {  	[dreg:$0x0] =	wrdreg $0xFFFFFFFF;
	(pc) =	sbr.abs _section_cstart, $3  }
0xc1: {  	[dreg:$0x1] =	wrdreg $0xFFFFFFFF  }
0xc2: {  	_ =	task.clear_ibuf [dreg:s7], $0x2FFFF;
	_ =	strace $0x9FFFFFFF  }
0xc3: {  	(tm) =	ssettm $0x7FFFFFFF  }
tec
execute0_lowered:
.L_overlay_start_1:
0x0: {  	(tag) =	ssettag $0x1  }
0x1: {  	s2 =	rddreg [dreg:$0x0]  }
0x2: {  	s5 =	rddreg [dreg:$0x1]  }
0x3: {  	s3 =	rddreg [dreg:$0x2]  }
0x4: {  	s0 =	rddreg [dreg:$0x3];
	s1 =	stileid.u32  }
0x5: {  	s6 =	srdreg.scid;
	s4 =	simm.s32 $0x0;
	s15 =	simm.s32 $0x1400  }
0x6: {  	s16 =	simm.s32 $0x80;
	s17 =	simm.s32 $0x2800;
	s18 =	simm.s32 $0x6800  }
0x7: {  	s19 =	simm.s32 $0x1;
	s20 =	simm.s32 $0x2;
	s21 =	simm.s32 $0x2700  }
0x8: {  	s22 =	simm.s32 $0x2780;
	s23 =	simm.s32 $0x0;
	s7 =	smul.u32 $0x13C00, s1  }
0x9: {  	s6 =	sand.u32 $0x1, s6;
	[smem:$0x7FF] =	sst s4;
	s11 =	sadd.s32 $0xD000, s5  }
0xa: {  	s12 =	sadd.s32 $0x3000, s5;
	s10 =	smul.u32 $0x4F000, s1;
	s30 =	sshll.u32 s1, $0x6  }
0xb: {  	s8 =	smul.u32 $0x13C000, s6;
	_ =	strace $0x8000004D;
	s25 =	sshll.u32 s6, $0x4  }
0xc: {  	s26 =	ssub.s32 $0x2, s6;
	s6 =	sor.u32 $0x1C03, s30;
	s9 =	sshrl.u32 s7, $0x3  }
0xd: {  	s28 =	sor.u32 s1, s25;
	s29 =	sshrl.u32 s26, $0x1;
	s10 =	sshrl.u32 s10, $0x2  }
0xe: {  	s9 =	sadd.s32 s9, s5;
	s7 =	sadd.s32 s7, s8;
	s13 =	smul.u32 $0x2800, s28  }
0xf: {  	s8 =	ssub.s32 s26, s29;
	s14 =	sadd.s32 s10, s3;
	s7 =	sshrl.u32 s7, $0x3  }
0x10: {  	s8 =	smax.u32 s8, $0x1;
	s7 =	sadd.s32 s7, s5;
	s31 =	sshrl.u32 s13, $0x3  }
0x11: {  	s5 =	sadd.s32 $0x17000, s9;
	s7 =	sadd.s32 $0x3E800, s7;
	s13 =	sadd.s32 $0x280, s31  }
0x12: {  	s9 =	sadd.s32 s11, s31;
	s10 =	sadd.s32 s12, s31;
	s11 =	sadd.s32 s11, s13  }
0x13: {  	s12 =	sadd.s32 s12, s13;
	s13 =	sshrl.u32 s14, $0x3;
	s14 =	simm.s32 $0x3  }
.LBB2_1:
0x14: {  	[spmem:s13], [sflag:s6] =	dma.local [hbm:s5], $0x2780  }
0x15: {  	_ =	swait.ge [sflag:s14], $0x2780  }
0x16: {  	[sflag:s14] =	ssyncset.done $0x0  }
0x17: {  	[sflag:s14] =	ssyncadd.s32 $0xFFFFD880  }
0x18: {  	[bflag:$0x0] =	sbarrier.arrive $0xFFFF  }
0x19: {  	[tilespmem:s4], [sflag:$0x3] =	stream.linear.gather [hbm4b:s9+s4], $0x1400, $0x38;
	[tilespmem:$0x1E400] =	vst v63  }
0x1a: {  	_ =	swait.ge [sflag:s14], $0x1400  }
0x1b: {  	[sflag:s14] =	ssyncset.done $0x0  }
0x1c: {  	[sflag:s14] =	ssyncadd.s32 $0xFFFFEC00  }
0x1d: {  	[tilespmem:s15], [sflag:$0x3] =	stream.linear.gather [hbm4b:s10+s4], $0x1400, $0x38;
	[tilespmem:$0x1E400] =	vst v63  }
0x1e: {  	_ =	swait.ge [sflag:s14], $0x1400  }
0x1f: {  	[sflag:s14] =	ssyncset.done $0x0  }
0x20: {  	[sflag:s14] =	ssyncadd.s32 $0xFFFFEC00  }
0x21: {  	[tilespmem:s17], [sflag:$0x1] =	stream.indirect.gather [hbm4b:s2+s16], $0x80, s4, s16, $0xb8;
	[tilespmem:$0x1E400] =	vst v63  }
0x22: {  	_ = 	snop  }
0x23: {  	[tilespmem:s18], [sflag:$0x2] =	stream.indirect.gather [hbm4b:s2+s16], $0x80, s16, s16, $0xb8;
	[tilespmem:$0x1E400] =	vst v63  }
0x24: {  	_ =	swait.ge [sflag:s19], $0x4000  }
0x25: {  	[sflag:s19] =	ssyncset.done $0x0  }
0x26: {  	s24 =	simm.s32 $0x1400;
	[sflag:s19] =	ssyncadd.s32 $0xFFFFC000  }
0x27: {  	[spmem:s3] =	stream.indirect.scatter.add.f32 [tilespmem:s17], [sflag:$0x3], $0x80, s24, s16, $0xb8;
	[tilespmem:$0x1E400] =	vst v63  }
0x28: {  	_ =	swait.ge [sflag:s14], $0x4000  }
0x29: {  	[sflag:s14] =	ssyncset.done $0x0  }
0x2a: {  	s30 =	simm.s32 $0x100;
	[sflag:s14] =	ssyncadd.s32 $0xFFFFC000  }
0x2b: {  	[tilespmem:s17], [sflag:$0x1] =	stream.indirect.gather [hbm4b:s2+s16], $0x80, s30, s16, $0xb8;
	[tilespmem:$0x1E400] =	vst v63  }
0x2c: {  	_ =	swait.ge [sflag:s20], $0x4000  }
0x2d: {  	[sflag:s20] =	ssyncset.done $0x0  }
0x2e: {  	s31 =	simm.s32 $0x1480;
	[sflag:s20] =	ssyncadd.s32 $0xFFFFC000  }
0x2f: {  	[spmem:s3] =	stream.indirect.scatter.add.f32 [tilespmem:s18], [sflag:$0x3], $0x80, s31, s16, $0xb8;
	[tilespmem:$0x1E400] =	vst v63  }
0x30: {  	_ =	swait.ge [sflag:s14], $0x4000  }
0x31: {  	[sflag:s14] =	ssyncset.done $0x0  }
0x32: {  	s25 =	simm.s32 $0x180;
	s24 =	simm.s32 $0x400;
	[sflag:s14] =	ssyncadd.s32 $0xFFFFC000  }
.LBB2_2:
0x33: {  	[tilespmem:s18], [sflag:$0x2] =	stream.indirect.gather [hbm4b:s2+s16], $0x80, s25, s16, $0xb8;
	[tilespmem:$0x1E400] =	vst v63  }
0x34: {  	s25 =	smov.u32 s24  }
0x35: {  	p0 =	sne.s32 s24, $0x4800;
	s24 =	sadd.s32 $0x400, s24;
	_ =	swait.ge [sflag:s19], $0x4000  }
0x36: {  	s25 =	sshra.s32 s25, $0x2;
	[sflag:s19] =	ssyncset.done $0x0  }
0x37: {  	s26 =	sadd.s32 $0x1400, s25;
	[sflag:s19] =	ssyncadd.s32 $0xFFFFC000  }
0x38: {  	[spmem:s3] =	stream.indirect.scatter.add.f32 [tilespmem:s17], [sflag:$0x3], $0x80, s26, s16, $0xb8;
	[tilespmem:$0x1E400] =	vst v63  }
0x39: {  	_ =	swait.ge [sflag:s14], $0x4000  }
0x3a: {  	[sflag:s14] =	ssyncset.done $0x0  }
0x3b: {  	s26 =	sadd.s32 $0x100, s25;
	[sflag:s14] =	ssyncadd.s32 $0xFFFFC000  }
0x3c: {  	[tilespmem:s17], [sflag:$0x1] =	stream.indirect.gather [hbm4b:s2+s16], $0x80, s26, s16, $0xb8;
	[tilespmem:$0x1E400] =	vst v63  }
0x3d: {  	_ =	swait.ge [sflag:s20], $0x4000  }
0x3e: {  	[sflag:s20] =	ssyncset.done $0x0  }
.Ltmp0:
0x3f: {  	s26 =	sadd.s32 $0x1480, s25;
	[sflag:s20] =	ssyncadd.s32 $0xFFFFC000;
	(pc) =	sbr.rel @p0 .LBB2_2-.Ltmp0, $4  }
0x40: {  	[spmem:s3] =	stream.indirect.scatter.add.f32 [tilespmem:s18], [sflag:$0x3], $0x80, s26, s16, $0xb8;
	[tilespmem:$0x1E400] =	vst v63  }
0x41: {  	_ =	swait.ge [sflag:s14], $0x4000  }
0x42: {  	[sflag:s14] =	ssyncset.done $0x0  }
0x43: {  	s25 =	sadd.s32 $0x180, s25;
	[sflag:s14] =	ssyncadd.s32 $0xFFFFC000  }
0x44: {  	[tilespmem:s18], [sflag:$0x2] =	stream.indirect.gather [hbm4b:s2+s16], $0x80, s25, s16, $0xb8;
	[tilespmem:$0x1E400] =	vst v63  }
0x45: {  	_ =	swait.ge [sflag:s19], $0x4000  }
0x46: {  	[sflag:s19] =	ssyncset.done $0x0  }
0x47: {  	[sflag:s19] =	ssyncadd.s32 $0xFFFFC000  }
0x48: {  	[spmem:s3] =	stream.indirect.scatter.add.f32 [tilespmem:s17], [sflag:$0x3], $0x80, s21, s16, $0xb8;
	[tilespmem:$0x1E400] =	vst v63  }
0x49: {  	_ =	swait.ge [sflag:s14], $0x4000  }
0x4a: {  	[sflag:s14] =	ssyncset.done $0x0  }
0x4b: {  	[sflag:s14] =	ssyncadd.s32 $0xFFFFC000  }
0x4c: {  	_ =	swait.ge [sflag:s20], $0x4000  }
0x4d: {  	[sflag:s20] =	ssyncset.done $0x0  }
0x4e: {  	[sflag:s20] =	ssyncadd.s32 $0xFFFFC000  }
0x4f: {  	[spmem:s3] =	stream.indirect.scatter.add.f32 [tilespmem:s18], [sflag:$0x3], $0x80, s22, s16, $0xb8;
	[tilespmem:$0x1E400] =	vst v63  }
0x50: {  	_ =	swait.ge [sflag:s14], $0x4000  }
0x51: {  	[sflag:s14] =	ssyncset.done $0x0  }
0x52: {  	s24 =	simm.s32 $0x0;
	[sflag:s14] =	ssyncadd.s32 $0xFFFFC000  }
0x53: {  	[tilespmem:s24], [sflag:$0x3] =	stream.linear.gather [hbm4b:s11+s24], $0x1400, $0x38;
	[tilespmem:$0x1E400] =	vst v63  }
0x54: {  	_ =	swait.ge [sflag:s14], $0x1400  }
0x55: {  	[sflag:s14] =	ssyncset.done $0x0  }
0x56: {  	[sflag:s14] =	ssyncadd.s32 $0xFFFFEC00  }
0x57: {  	[tilespmem:s15], [sflag:$0x3] =	stream.linear.gather [hbm4b:s12+s24], $0x1400, $0x38;
	[tilespmem:$0x1E400] =	vst v63  }
0x58: {  	_ =	swait.ge [sflag:s14], $0x1400  }
0x59: {  	[sflag:s14] =	ssyncset.done $0x0  }
0x5a: {  	[sflag:s14] =	ssyncadd.s32 $0xFFFFEC00  }
0x5b: {  	[tilespmem:s17], [sflag:$0x1] =	stream.indirect.gather [hbm4b:s2+s16], $0x80, s24, s16, $0xb8;
	[tilespmem:$0x1E400] =	vst v63  }
0x5c: {  	_ = 	snop  }
0x5d: {  	[tilespmem:s18], [sflag:$0x2] =	stream.indirect.gather [hbm4b:s2+s16], $0x80, s16, s16, $0xb8;
	[tilespmem:$0x1E400] =	vst v63  }
0x5e: {  	_ =	swait.ge [sflag:s19], $0x4000  }
0x5f: {  	[sflag:s19] =	ssyncset.done $0x0  }
0x60: {  	s29 =	simm.s32 $0x1400;
	[sflag:s19] =	ssyncadd.s32 $0xFFFFC000  }
0x61: {  	[spmem:s3] =	stream.indirect.scatter.add.f32 [tilespmem:s17], [sflag:$0x3], $0x80, s29, s16, $0xb8;
	[tilespmem:$0x1E400] =	vst v63  }
0x62: {  	_ =	swait.ge [sflag:s14], $0x4000  }
0x63: {  	[sflag:s14] =	ssyncset.done $0x0  }
0x64: {  	s30 =	simm.s32 $0x100;
	[sflag:s14] =	ssyncadd.s32 $0xFFFFC000  }
0x65: {  	[tilespmem:s17], [sflag:$0x1] =	stream.indirect.gather [hbm4b:s2+s16], $0x80, s30, s16, $0xb8;
	[tilespmem:$0x1E400] =	vst v63  }
0x66: {  	_ =	swait.ge [sflag:s20], $0x4000  }
0x67: {  	[sflag:s20] =	ssyncset.done $0x0  }
0x68: {  	s31 =	simm.s32 $0x1480;
	[sflag:s20] =	ssyncadd.s32 $0xFFFFC000  }
0x69: {  	[spmem:s3] =	stream.indirect.scatter.add.f32 [tilespmem:s18], [sflag:$0x3], $0x80, s31, s16, $0xb8;
	[tilespmem:$0x1E400] =	vst v63  }
0x6a: {  	_ =	swait.ge [sflag:s14], $0x4000  }
0x6b: {  	[sflag:s14] =	ssyncset.done $0x0  }
0x6c: {  	s25 =	simm.s32 $0x180;
	s24 =	simm.s32 $0x400;
	[sflag:s14] =	ssyncadd.s32 $0xFFFFC000  }
.LBB2_4:
0x6d: {  	[tilespmem:s18], [sflag:$0x2] =	stream.indirect.gather [hbm4b:s2+s16], $0x80, s25, s16, $0xb8;
	[tilespmem:$0x1E400] =	vst v63  }
0x6e: {  	s25 =	smov.u32 s24  }
0x6f: {  	p0 =	sne.s32 s24, $0x4800;
	s24 =	sadd.s32 $0x400, s24;
	_ =	swait.ge [sflag:s19], $0x4000  }
0x70: {  	s25 =	sshra.s32 s25, $0x2;
	[sflag:s19] =	ssyncset.done $0x0  }
0x71: {  	s26 =	sadd.s32 $0x1400, s25;
	[sflag:s19] =	ssyncadd.s32 $0xFFFFC000  }
0x72: {  	[spmem:s3] =	stream.indirect.scatter.add.f32 [tilespmem:s17], [sflag:$0x3], $0x80, s26, s16, $0xb8;
	[tilespmem:$0x1E400] =	vst v63  }
0x73: {  	_ =	swait.ge [sflag:s14], $0x4000  }
0x74: {  	[sflag:s14] =	ssyncset.done $0x0  }
0x75: {  	s26 =	sadd.s32 $0x100, s25;
	[sflag:s14] =	ssyncadd.s32 $0xFFFFC000  }
0x76: {  	[tilespmem:s17], [sflag:$0x1] =	stream.indirect.gather [hbm4b:s2+s16], $0x80, s26, s16, $0xb8;
	[tilespmem:$0x1E400] =	vst v63  }
0x77: {  	_ =	swait.ge [sflag:s20], $0x4000  }
0x78: {  	[sflag:s20] =	ssyncset.done $0x0  }
.Ltmp1:
0x79: {  	s26 =	sadd.s32 $0x1480, s25;
	[sflag:s20] =	ssyncadd.s32 $0xFFFFC000;
	(pc) =	sbr.rel @p0 .LBB2_4-.Ltmp1, $4  }
0x7a: {  	[spmem:s3] =	stream.indirect.scatter.add.f32 [tilespmem:s18], [sflag:$0x3], $0x80, s26, s16, $0xb8;
	[tilespmem:$0x1E400] =	vst v63  }
0x7b: {  	_ =	swait.ge [sflag:s14], $0x4000  }
0x7c: {  	[sflag:s14] =	ssyncset.done $0x0  }
0x7d: {  	s25 =	sadd.s32 $0x180, s25;
	[sflag:s14] =	ssyncadd.s32 $0xFFFFC000  }
0x7e: {  	[tilespmem:s18], [sflag:$0x2] =	stream.indirect.gather [hbm4b:s2+s16], $0x80, s25, s16, $0xb8;
	[tilespmem:$0x1E400] =	vst v63  }
0x7f: {  	_ =	swait.ge [sflag:s19], $0x4000  }
0x80: {  	[sflag:s19] =	ssyncset.done $0x0  }
0x81: {  	[sflag:s19] =	ssyncadd.s32 $0xFFFFC000  }
0x82: {  	[spmem:s3] =	stream.indirect.scatter.add.f32 [tilespmem:s17], [sflag:$0x3], $0x80, s21, s16, $0xb8;
	[tilespmem:$0x1E400] =	vst v63  }
0x83: {  	_ =	swait.ge [sflag:s14], $0x4000  }
0x84: {  	[sflag:s14] =	ssyncset.done $0x0  }
0x85: {  	[sflag:s14] =	ssyncadd.s32 $0xFFFFC000  }
0x86: {  	_ =	swait.ge [sflag:s20], $0x4000  }
0x87: {  	[sflag:s20] =	ssyncset.done $0x0  }
0x88: {  	[sflag:s20] =	ssyncadd.s32 $0xFFFFC000  }
0x89: {  	[spmem:s3] =	stream.indirect.scatter.add.f32 [tilespmem:s18], [sflag:$0x3], $0x80, s22, s16, $0xb8;
	[tilespmem:$0x1E400] =	vst v63  }
0x8a: {  	_ =	swait.ge [sflag:s14], $0x4000  }
0x8b: {  	s23 =	sadd.s32 $0x1, s23;
	[sflag:s14] =	ssyncset.done $0x0  }
0x8c: {  	p0 =	sne.s32 s23, s8;
	[sflag:s14] =	ssyncadd.s32 $0xFFFFC000  }
.Ltmp2:
0x8d: {  	[bflag:$0x0] =	sbarrier.arrive $0xFFFF;
	(pc) =	sbr.rel @p0 .LBB2_1-.Ltmp2, $4  }
0x8e: {  	[hbm:s7], [sflag:s6] =	dma.local [spmem:s13], $0x2780  }
0x8f: {  	_ =	swait.ge [sflag:s14], $0x2780  }
0x90: {  	[sflag:s14] =	ssyncset.done $0x0  }
0x91: {  	[sflag:s14] =	ssyncadd.s32 $0xFFFFD880  }
0x92: {  	_ =	sfence.sel $0x180000  }
0x93: {  	[bflag:$0x0] =	sbarrier.arrive $0xFFFF  }
0x94: {  	p0 =	sne.s32 s1, $0x0;
	_ =	strace $0x9000004D  }
0x95: {  	s0 =	sadd.s32 @!p0 $0x100000, s0;
	[bflag:$0x2] =	sbarrier.arrive $0xFFFF  }
0x96: {  	[sflag:s0] =	ssyncadd.tile.s32 @!p0 $0x1;
	_ =	shalt  }
.Lfunc_end2:
_tile_overlayer_lowered:
.L_overlay_start_2:
0x97: {  	(tag) =	ssettag $0x2  }
0x98: {  	s0 =	rddreg [dreg:$0x0];
	s2 =	stileid.u32  }
0x99: {  	s1 =	rddreg [dreg:$0x1];
	p0 =	sne.s32 s2, $0x0  }
0x9a: {  	s3 =	rddreg [dreg:$0x2];
	[bflag:$0x3] =	sbarrier.arrive $0xFFFF;
	s2 =	simm.s32 @!p0 $0x1C03  }
0x9b: {  	[timem:s3], [sflag:s2] =	dma.local @!p0 [hbm:s0], s1  }
0x9c: {  	s0 =	simm.s32 @!p0 $0x3  }
0x9d: {  	_ =	swait.ge @!p0 [sflag:s0], s1  }
0x9e: {  	s1 =	ssub.s32 @!p0 $0x0, s1;
	[sflag:s0] =	ssyncset.done @!p0 $0x0  }
0x9f: {  	[sflag:s0] =	ssyncadd.s32 @!p0 s1  }
0xa0: {  	[bflag:$0x3] =	sbarrier.arrive $0xFFFF  }
0xa1: {  	_ =	shalt  }

// kernel: kernel.8.cloned.1.call-start
scs
__scs_entry_jumppad:
0x0: {  	(pc) =	sbr.rel $0x88, $3  }
0x1: {  	(tag) =	ssettag $0x0;
	lr =	simm.s32 $0x1  }
0x2: {  	[smem:$0x3F95] =	sst lr;
	_ =	strace $0xD0000000  }
0x3: {  	_ = 	snop  }
0x4: {  	_ = 	snop  }
0x5: {  	_ = 	snop  }
0x6: {  	_ = 	snop  }
0x7: {  	_ = 	snop  }
__scs_overlays_trampoline_lowered:
0x8: {  	[smem:$0x3FA4] =	sst s0  }
0x9: {  	[smem:$0x3FA5] =	sst s1  }
0xa: {  	[smem:$0x3FA6] =	sst s2  }
0xb: {  	[smem:$0x3FA7] =	sst s3  }
0xc: {  	[smem:$0x3FA8] =	sst s4  }
0xd: {  	[smem:$0x3FA9] =	sst s5  }
0xe: {  	[smem:$0x3FAA] =	sst s6  }
0xf: {  	[smem:$0x3FAB] =	sst s7  }
0x10: {  	[smem:$0x3FAC] =	sst s8  }
0x11: {  	[smem:$0x3FAD] =	sst s9;
	s0 =	simm.s32 @!p0 $0x0  }
0x12: {  	s1 =	sld [smem:$0x3F93];
	s0 =	simm.s32 @p0 $0x1  }
0x13: {  	[smem:$0x3FAE] =	sst s0;
	s0 =	simm.s32 @!p1 $0x0  }
0x14: {  	s2 =	sld [smem:$0x3F92];
	s0 =	simm.s32 @p1 $0x1  }
0x15: {  	[smem:$0x3FAF] =	sst s0;
	s0 =	simm.s32 @!p2 $0x0  }
0x16: {  	s3 =	sld [smem:$0x3FDB];
	s0 =	simm.s32 @p2 $0x1  }
0x17: {  	s4 =	simm.s32 $0x1BF5;
	[smem:$0x3FB1] =	sst s0  }
0x18: {  	s0 =	sld [smem:$0x3F94];
	_ =	swait.ge [sflag:s4], $0x0  }
0x19: {  	s7 =	sld [smem:$0x3F95]  }
0x1a: {  	s8 =	sadd.s32 $0xFFFFE003, lr  }
0x1b: {  	s9 =	sadd.s32 $0xFFFFFEF7, lr;
	s5 =	simm.s32 $0xFFFFFFFF;
	p2 =	slt.u32 s8, $0xFFFFF086  }
0x1c: {  	p1 =	slt.u32 s9, $0xF7A;
	s5 =	simm.s32 @!p2 $0x0  }
0x1d: {  	s5 =	simm.s32 @p1 $0x1;
	p0 =	seq.s32 s7, s2  }
0x1e: {  	s7 =	smul.u32 @!p0 $0xF7A, s2;
	p2 =	seq.s32 @!p0 s5, $0x0  }
0x1f: {  	s9 =	smul.u32 $0xF7A, s1;
	s8 =	simm.s32 @!p0 $0x1BF5;
	p2 =	por !p2, p0  }
0x20: {  	[sflag:s8] =	ssyncset.s32 @!p0 $0xFFFFF086;
	s6 =	sadd.s32 @!p0 s3, s7;
	s7 =	simm.s32 @!p0 $0x108  }
0x21: {  	s3 =	sadd.s32 s3, s9;
	s6 =	sadd.s32 @!p0 $0x88, s6;
	s7 =	simm.s32 @p2 $0x1082  }
0x22: {  	[simem:s7], [sflag:s8] =	dma.local @!p0 [hbm:s6], $0xF7A  }
0x23: {  	s9 =	sor.u32 $0xD0000000, s2;
	s6 =	simm.s32 $0x108;
	_ =	swait.ge @!p0 [sflag:s8], $0x0  }
0x24: {  	s3 =	sadd.s32 $0x88, s3;
	s6 =	simm.s32 @!p1 $0x1082;
	[sflag:s4] =	ssyncset.s32 $0xFFFFF086  }
0x25: {  	[simem:s6], [sflag:s4] =	dma.local [hbm:s3], $0xF7A  }
0x26: {  	[smem:$0x3F95] =	sst s1;
	(tag) =	ssettag s2;
	_ =	strace s9  }
0x27: {  	s1 =	sld [smem:$0x3FA5]  }
0x28: {  	s2 =	sld [smem:$0x3FA6]  }
0x29: {  	s4 =	sld [smem:$0x3FA8]  }
0x2a: {  	p0 =	seq.s32 s5, $0x0;
	s5 =	sld [smem:$0x3FA9]  }
0x2b: {  	s6 =	sld [smem:$0x3FAA]  }
0x2c: {  	s7 =	sld [smem:$0x3FAB]  }
0x2d: {  	s3 =	simm.s32 $0x108;
	s8 =	sld [smem:$0x3FAC]  }
0x2e: {  	s3 =	simm.s32 @!p0 $0x1082;
	s9 =	sld [smem:$0x3FAD]  }
0x2f: {  	lr =	sadd.s32 s0, s3;
	s0 =	sld [smem:$0x3FA4]  }
0x30: {  	s3 =	sld [smem:$0x3FA7]  }
0x31: {  	[smem:$0x3FB0] =	sst s10  }
0x32: {  	s10 =	sld [smem:$0x3FAE];
	_ =	sdelay $0x3  }
0x33: {  	p0 =	seq.s32 s10, $0x1;
	s10 =	sld [smem:$0x3FB0];
	_ =	sdelay $0x3  }
0x34: {  	[smem:$0x3FB0] =	sst s10  }
0x35: {  	s10 =	sld [smem:$0x3FAF];
	_ =	sdelay $0x3  }
0x36: {  	p1 =	seq.s32 s10, $0x1;
	s10 =	sld [smem:$0x3FB0];
	_ =	sdelay $0x3  }
0x37: {  	[smem:$0x3FB0] =	sst s10  }
0x38: {  	s10 =	sld [smem:$0x3FB1]  }
0x39: {  	_ = 	snop;
	(pc) =	sbr.ind lr, $3  }
0x3a: {  	_ = 	snop  }
0x3b: {  	_ = 	snop  }
0x3c: {  	p2 =	seq.s32 s10, $0x1;
	s10 =	sld [smem:$0x3FB0]  }
0x3d: {  	_ =	shalt  }
0x3e: {  	_ =	shalt  }
0x3f: {  	_ =	shalt  }
0x40: {  	_ =	shalt  }
0x41: {  	_ =	shalt  }
0x42: {  	_ =	shalt  }
0x43: {  	_ =	shalt  }
0x44: {  	_ =	shalt  }
0x45: {  	_ =	shalt  }
0x46: {  	_ =	shalt  }
0x47: {  	_ =	shalt  }
0x48: {  	_ =	shalt  }
0x49: {  	_ =	shalt  }
0x4a: {  	_ =	shalt  }
0x4b: {  	_ =	shalt  }
0x4c: {  	_ =	shalt  }
0x4d: {  	_ =	shalt  }
0x4e: {  	_ =	shalt  }
0x4f: {  	_ =	shalt  }
0x50: {  	_ =	shalt  }
0x51: {  	_ =	shalt  }
0x52: {  	_ =	shalt  }
0x53: {  	_ =	shalt  }
0x54: {  	_ =	shalt  }
0x55: {  	_ =	shalt  }
0x56: {  	_ =	shalt  }
0x57: {  	_ =	shalt  }
0x58: {  	_ =	shalt  }
0x59: {  	_ =	shalt  }
0x5a: {  	_ =	shalt  }
0x5b: {  	_ =	shalt  }
0x5c: {  	_ =	shalt  }
0x5d: {  	_ =	shalt  }
0x5e: {  	_ =	shalt  }
0x5f: {  	_ =	shalt  }
0x60: {  	_ =	shalt  }
0x61: {  	_ =	shalt  }
0x62: {  	_ =	shalt  }
0x63: {  	_ =	shalt  }
0x64: {  	_ =	shalt  }
0x65: {  	_ =	shalt  }
0x66: {  	_ =	shalt  }
0x67: {  	_ =	shalt  }
0x68: {  	_ =	shalt  }
0x69: {  	_ =	shalt  }
0x6a: {  	_ =	shalt  }
0x6b: {  	_ =	shalt  }
0x6c: {  	_ =	shalt  }
0x6d: {  	_ =	shalt  }
0x6e: {  	_ =	shalt  }
0x6f: {  	_ =	shalt  }
0x70: {  	_ =	shalt  }
0x71: {  	_ =	shalt  }
0x72: {  	_ =	shalt  }
0x73: {  	_ =	shalt  }
0x74: {  	_ =	shalt  }
0x75: {  	_ =	shalt  }
0x76: {  	_ =	shalt  }
0x77: {  	_ =	shalt  }
0x78: {  	_ =	shalt  }
0x79: {  	_ =	shalt  }
0x7a: {  	_ =	shalt  }
0x7b: {  	_ =	shalt  }
0x7c: {  	_ =	shalt  }
0x7d: {  	_ =	shalt  }
0x7e: {  	_ =	shalt  }
0x7f: {  	_ =	shalt  }
0x80: {  	_ =	shalt  }
0x81: {  	_ =	shalt  }
0x82: {  	_ =	shalt  }
0x83: {  	_ =	shalt  }
0x84: {  	_ =	shalt  }
0x85: {  	_ =	shalt  }
0x86: {  	_ =	shalt  }
0x87: {  	_ =	shalt  }
.Lfunc_end0:
.L_simem_size_0:
called_computation_lowered:
.L_overlay_start_0:
0x88: {  	s2 =	sld [smem:$0x3FD9]  }
0x89: {  	s3 =	sld [smem:$0x3FFE];
	_ =	sdelay $0x1  }
0x8a: {  	s1 =	srdreg.scid  }
0x8b: {  	s0 =	sand.u32 $0x1, s1  }
0x8c: {  	s17 =	sshll.u32 s0, $0xA;
	s2 =	sadd.s32 s3, s2  }
0x8d: {  	s2 =	sadd.s32 s2, s17  }
0x8e: {  	[smem:$0x3FBC] =	sst s2  }
0x8f: {  	_ = 	snop  }
0x90: {  	s2 =	sld [smem:$0x3FD0];
	(tm) =	ssettm $0x1  }
0x91: {  	s18 =	sld [smem:$0x3FFB];
	_ =	sdelay $0x3  }
0x92: {  	_ =	strace s18  }
0x93: {  	s3 =	sld [smem:$0x3FFC];
	_ =	sdelay $0x3  }
0x94: {  	_ =	strace s3  }
0x95: {  	s3 =	sld [smem:$0x3FFD];
	_ =	sdelay $0x3  }
0x96: {  	_ =	strace s3  }
0x97: {  	_ =	strace $0x8FFFFFFF  }
0x98: {  	s19 =	sld [smem:$0x3FDB];
	_ =	sdelay $0x1  }
0x99: {  	s4 =	simm.s32 $_scs_section_size  }
0x9a: {  	s5 =	simm.s32 $_size__tile_overlayer_lowered;
	s6 =	simm.s32 $_tile_overlayer_lowered  }
0x9b: {  	s22 =	simm.s32 $0x1BFF;
	s21 =	sshll.u32 s6, $0x1;
	s3 =	sadd.s32 s4, s19  }
0x9c: {  	s7 =	simm.s32 $0x0;
	s20 =	sshll.u32 s5, $0x1;
	s5 =	sadd.s32 s21, s3  }
0x9d: {  	[timem:s7], [sflag:s22] =	dma.local [hbm:s5], s20  }
0x9e: {  	_ =	swait.ge [sflag:s22], s20  }
0x9f: {  	s4 =	ssub.s32 $0x0, s20;
	[sflag:s22] =	ssyncset.done $0x0  }
0xa0: {  	[sflag:s22] =	ssyncadd.s32 s4;
	_ =	sdelay $0x1  }
0xa1: {  	s23 =	simm.s32 $0x1B8B  }
0xa2: {  	_ =	swait.ge [sflag:s23], $0x1  }
0xa3: {  	[sflag:s23] =	ssyncset.done $0x0  }
0xa4: {  	s25 =	simm.s32 $0x1B8E;
	s24 =	sld [smem:$0x3FFE];
	[sflag:s23] =	ssyncadd.s32 $0xFFFFFFFF  }
0xa5: {  	s26 =	simm.s32 $execute0_lowered;
	[smem:$0x3FD2] =	sst s25  }
0xa6: {  	s5 =	sshll.u32 s26, $0x1;
	_ =	strace $0x80000046;
	[dreg:$0x1] =	wrdreg $0xFFFFFFFF  }
0xa7: {  	s28 =	simm.s32 $_size_execute0_lowered;
	s3 =	sadd.s32 s3, s5;
	[dreg:$0x0] =	wrdreg $0x0  }
0xa8: {  	s5 =	sshll.u32 s28, $0x1;
	[dreg:$0x2] =	wrdreg s3  }
0xa9: {  	[dreg:$0x3] =	wrdreg s5  }
0xaa: {  	[dreg:$0x4] =	wrdreg $0xC0  }
0xab: {  	_ =	task [dreg:s7], $0x5FFFF  }
0xac: {  	[dreg:$0x1] =	wrdreg $0xFFFFFFFF  }
0xad: {  	[dreg:$0x0] =	wrdreg $0x60  }
0xae: {  	[dreg:$0x2] =	wrdreg s24  }
0xaf: {  	[dreg:$0x3] =	wrdreg s2  }
0xb0: {  	[dreg:$0x4] =	wrdreg $0x68000  }
0xb1: {  	[dreg:$0x5] =	wrdreg $0x9  }
0xb2: {  	_ =	task.clear_ibuf [dreg:s7], $0x6FFFF;
	_ =	strace $0x90000046  }
0xb3: {  	s29 =	simm.s32 $0x9;
	_ =	strace $0x80000048  }
0xb4: {  	_ =	swait.ge [sflag:s29], $0x1  }
0xb5: {  	[sflag:s29] =	ssyncadd.s32 $0xFFFFFFFF  }
0xb6: {  	_ =	strace $0x90000048  }
0xb7: {  	_ =	sfence  }
0xb8: {  	s30 =	sld [smem:$0x0];
	_ =	sdelay $0x2  }
0xb9: {  	s31 =	sshll.u32 s1, $0xD;
	s1 =	sshrl.u32 s1, $0x2  }
0xba: {  	s3 =	sand.u32 $0x4000, s31;
	s1 =	sadd.s32 s1, s30  }
0xbb: {  	s0 =	sor.u32 s3, s0;
	s1 =	sshll.u32 s1, $0x11  }
0xbc: {  	s0 =	sor.u32 s1, s0  }
0xbd: {  	s0 =	sadd.s32 $0x8F2B, s0  }
0xbe: {  	[sflag:s0] =	ssyncadd.remote.s32 $0x1  }
0xbf: {  	_ =	sfence.sel $0xFFFF  }
0xc0: {  	[dreg:$0x0] =	wrdreg $0xFFFFFFFF;
	(pc) =	sbr.abs _section_cstart, $3  }
0xc1: {  	[dreg:$0x1] =	wrdreg $0xFFFFFFFF  }
0xc2: {  	_ =	task.clear_ibuf [dreg:s7], $0x2FFFF;
	_ =	strace $0x9FFFFFFF  }
0xc3: {  	(tm) =	ssettm $0x7FFFFFFF  }
tec
execute0_lowered:
.L_overlay_start_1:
0x0: {  	(tag) =	ssettag $0x1  }
0x1: {  	s6 =	rddreg [dreg:$0x0]  }
0x2: {  	s2 =	rddreg [dreg:$0x1]  }
0x3: {  	s0 =	srdreg.scid;
	s3 =	rddreg [dreg:$0x2];
	s4 =	simm.s32 $0x0  }
0x4: {  	s13 =	simm.s32 $0x80;
	s5 =	sand.u32 $0x1, s0;
	s0 =	stileid.u32  }
0x5: {  	s14 =	simm.s32 $0x0;
	[smem:$0x7FF] =	sst s4;
	s8 =	smul.u32 $0x13C00, s0  }
0x6: {  	s1 =	sshll.u32 s5, $0x4;
	s9 =	smul.u32 $0x13C000, s5;
	s5 =	ssub.s32 $0x2, s5  }
0x7: {  	s29 =	smul.u32 $0x4F000, s0;
	s31 =	sshll.u32 s0, $0x6;
	s1 =	sor.u32 s0, s1  }
0x8: {  	s11 =	sshrl.u32 s5, $0x1;
	s7 =	smul.u32 $0x500, s1;
	s1 =	rddreg [dreg:$0x3]  }
0x9: {  	_ =	strace $0x80000047;
	s10 =	sshrl.u32 s8, $0x3;
	s8 =	sadd.s32 s8, s9  }
0xa: {  	s11 =	ssub.s32 s5, s11;
	s30 =	sshrl.u32 s29, $0x2;
	s9 =	simm.s32 $0x1  }
0xb: {  	s10 =	sadd.s32 s10, s6;
	s8 =	sshrl.u32 s8, $0x3;
	s12 =	sadd.s32 s30, s3  }
0xc: {  	s7 =	sadd.s32 s7, s6;
	s8 =	sadd.s32 s8, s6;
	s6 =	sadd.s32 $0x17000, s10  }
0xd: {  	s10 =	simm.s32 $0x2800;
	s12 =	sshrl.u32 s12, $0x3;
	s5 =	sadd.s32 $0x3000, s7  }
0xe: {  	s7 =	sadd.s32 $0x3E800, s8;
	s8 =	smax.u32 s11, $0x1;
	s11 =	sor.u32 $0x1C01, s31  }
.LBB2_1:
0xf: {  	[tilespmem:s4], [sflag:$0x1] =	stream.linear.gather [hbm4b:s5+s4], $0x2800, $0x38;
	[tilespmem:$0x1A400] =	vst v63  }
0x10: {  	_ =	swait.ge [sflag:s9], $0x2800  }
0x11: {  	[sflag:s9] =	ssyncset.done $0x0  }
0x12: {  	[sflag:s9] =	ssyncadd.s32 $0xFFFFD800  }
0x13: {  	[tilespmem:s10], [sflag:$0x1] =	stream.linear.gather [hbm4b:s2+s4], $0x4000, $0x38;
	[tilespmem:$0x1A400] =	vst v63  }
0x14: {  	_ =	swait.ge [sflag:s9], $0x4000  }
0x15: {  	[sflag:s9] =	ssyncset.done $0x0  }
0x16: {  	[sflag:s9] =	ssyncadd.s32 $0xFFFFC000  }
0x17: {  	[spmem:s12], [sflag:s11] =	dma.local [hbm:s6], $0x2780  }
0x18: {  	_ =	swait.ge [sflag:s9], $0x2780  }
0x19: {  	[sflag:s9] =	ssyncset.done $0x0  }
0x1a: {  	[sflag:s9] =	ssyncadd.s32 $0xFFFFD880  }
0x1b: {  	s15 =	simm.s32 $0x0;
	[bflag:$0x0] =	sbarrier.arrive $0xFFFF  }
0x1c: {  	[spmem:s3] =	stream.indirect.scatter.add.f32 [tilespmem:s10], [sflag:$0x1], $0x80, s15, s13, $0xb8;
	[tilespmem:$0x1A400] =	vst v63  }
0x1d: {  	_ =	swait.ge [sflag:s9], $0x4000  }
0x1e: {  	s15 =	simm.s32 $0x200;
	[sflag:s9] =	ssyncset.done $0x0  }
.LBB2_2:
0x1f: {  	s16 =	sshra.s32 s15, $0x2;
	[sflag:s9] =	ssyncadd.s32 $0xFFFFC000;
	p0 =	sne.s32 s15, $0x9E00  }
0x20: {  	[spmem:s3] =	stream.indirect.scatter.add.f32 [tilespmem:s10], [sflag:$0x1], $0x80, s16, s13, $0xb8;
	[tilespmem:$0x1A400] =	vst v63  }
.Ltmp0:
0x21: {  	_ = 	snop;
	(pc) =	sbr.rel @p0 .LBB2_2-.Ltmp0, $4  }
0x22: {  	_ = 	snop  }
0x23: {  	s15 =	sadd.s32 $0x200, s15  }
0x24: {  	_ =	swait.ge [sflag:s9], $0x4000  }
0x25: {  	[sflag:s9] =	ssyncset.done $0x0  }
0x26: {  	s14 =	sadd.s32 $0x1, s14  }
0x27: {  	[sflag:s9] =	ssyncadd.s32 $0xFFFFC000;
	p0 =	sne.s32 s14, s8  }
.Ltmp1:
0x28: {  	[bflag:$0x0] =	sbarrier.arrive $0xFFFF;
	(pc) =	sbr.rel @p0 .LBB2_1-.Ltmp1, $4  }
0x29: {  	[hbm:s7], [sflag:s11] =	dma.local [spmem:s12], $0x2780  }
0x2a: {  	_ =	swait.ge [sflag:s9], $0x2780  }
0x2b: {  	[sflag:s9] =	ssyncset.done $0x0  }
0x2c: {  	[sflag:s9] =	ssyncadd.s32 $0xFFFFD880  }
0x2d: {  	_ =	sfence.sel $0x180000  }
0x2e: {  	[bflag:$0x0] =	sbarrier.arrive $0xFFFF  }
0x2f: {  	p0 =	sne.s32 s0, $0x0;
	_ =	strace $0x90000047  }
0x30: {  	s0 =	sadd.s32 @!p0 $0x100000, s1;
	[bflag:$0x2] =	sbarrier.arrive $0xFFFF  }
0x31: {  	[sflag:s0] =	ssyncadd.tile.s32 @!p0 $0x1;
	_ =	shalt  }
.Lfunc_end2:
_tile_overlayer_lowered:
.L_overlay_start_2:
0x32: {  	(tag) =	ssettag $0x2  }
0x33: {  	s0 =	rddreg [dreg:$0x0];
	s2 =	stileid.u32  }
0x34: {  	s1 =	rddreg [dreg:$0x1];
	p0 =	sne.s32 s2, $0x0  }
0x35: {  	s3 =	rddreg [dreg:$0x2];
	[bflag:$0x3] =	sbarrier.arrive $0xFFFF;
	s2 =	simm.s32 @!p0 $0x1C01  }
0x36: {  	[timem:s3], [sflag:s2] =	dma.local @!p0 [hbm:s0], s1  }
0x37: {  	s0 =	simm.s32 @!p0 $0x1  }
0x38: {  	_ =	swait.ge @!p0 [sflag:s0], s1  }
0x39: {  	s1 =	ssub.s32 @!p0 $0x0, s1;
	[sflag:s0] =	ssyncset.done @!p0 $0x0  }
0x3a: {  	[sflag:s0] =	ssyncadd.s32 @!p0 s1  }
0x3b: {  	[bflag:$0x3] =	sbarrier.arrive $0xFFFF  }
0x3c: {  	_ =	shalt  }

</sc_bundles>
